<compile_context>
chip_gen: v7x
topology: tpu7x:2x2x1
jax: 0.10.2.dev20260603
libtpu: 0.0.44.dev20260713+nightly
codegen_flags: <defaults>
</compile_context>

<pallas_src>
import functools

import jax
import jax.numpy as jnp
from jax import lax
from jax.experimental import pallas as pl
from jax.experimental.pallas import tpu as pltpu
from jax.experimental.pallas import tpu_sc as plsc

_NC = 2
_NS = 16
_NW = _NC * _NS

_VT = 8192


def _sc_gather_sum(context_r, emb, B, L, D):
  bpw = B // _NW
  ipw = bpw * L
  nch = ipw // 128
  assert ipw % 128 == 0 and B % (8 * _NW) == 0

  mesh = plsc.VectorSubcoreMesh(core_axis_name="c", subcore_axis_name="s")

  @functools.partial(
      pl.kernel,
      mesh=mesh,
      out_type=jax.ShapeDtypeStruct((B, D), jnp.float32),
      scratch_types=[
          pltpu.VMEM((nch, 128), jnp.int32),
          pltpu.VMEM((ipw, D), jnp.float32),
          pltpu.VMEM((bpw, D), jnp.float32),
          pltpu.SemaphoreType.DMA,
      ],
      compiler_params=pltpu.CompilerParams(use_tc_tiling_on_sc=False),
  )
  def sc_a(ctx_hbm, emb_hbm, summed_out, idx_v, rows_v, acc_v, sem_e):
    wid = lax.axis_index("s") * _NC + lax.axis_index("c")
    base = wid * bpw
    pltpu.sync_copy(ctx_hbm.at[wid], idx_v)
    cps = [
        pltpu.async_copy(emb_hbm.at[idx_v.at[j]],
                         rows_v.at[pl.ds(j * 128, 128)], sem_e)
        for j in range(nch)
    ]
    for cp in cps:
      cp.wait()

    def row_sum(r, carry):
      acc = rows_v[r * L]
      for l in range(1, L):
        acc = acc + rows_v[r * L + l]
      acc_v[r] = acc
      return carry

    lax.fori_loop(0, bpw, row_sum, 0)
    pltpu.sync_copy(acc_v, summed_out.at[pl.ds(base, bpw)])

  return sc_a(context_r, emb)


def _sc_target_rows(target, W, b, B, D):
  bpw = B // _NW
  mesh = plsc.VectorSubcoreMesh(core_axis_name="c", subcore_axis_name="s")

  @functools.partial(
      pl.kernel,
      mesh=mesh,
      out_type=[
          jax.ShapeDtypeStruct((B, D), jnp.float32),
          jax.ShapeDtypeStruct((B,), jnp.float32),
      ],
      scratch_types=[
          pltpu.VMEM((bpw,), jnp.int32),
          pltpu.VMEM((bpw, D), jnp.float32),
          pltpu.VMEM((bpw,), jnp.float32),
          pltpu.SemaphoreType.DMA,
          pltpu.SemaphoreType.DMA,
      ],
      compiler_params=pltpu.CompilerParams(use_tc_tiling_on_sc=False),
  )
  def sc_b(tgt_hbm, w_hbm, b_hbm, wtgt_out, btgt_out,
           tidx_v, wt_v, bt_v, sem_w, sem_b):
    wid = lax.axis_index("s") * _NC + lax.axis_index("c")
    base = wid * bpw
    pltpu.sync_copy(tgt_hbm.at[pl.ds(base, bpw)], tidx_v)
    cp_w = pltpu.async_copy(w_hbm.at[tidx_v], wt_v, sem_w)
    cp_b = pltpu.async_copy(b_hbm.at[tidx_v], bt_v, sem_b)
    cp_w.wait()
    pltpu.sync_copy(wt_v, wtgt_out.at[pl.ds(base, bpw)])
    cp_b.wait()
    pltpu.sync_copy(bt_v, btgt_out.at[pl.ds(base, bpw)])

  return sc_b(target, W, b)


def _tc_body(st_ref, w_ref, b_ref, logz_ref, pred_ref,
             m_s, s_s, ai_s, rid_s, *, B, VT, REM):
  i = pl.program_id(0)
  nt = pl.num_programs(0)

  @pl.when(i == 0)
  def _init():
    m_s[...] = jnp.full(m_s.shape, -jnp.inf, jnp.float32)
    s_s[...] = jnp.zeros(s_s.shape, jnp.float32)
    ai_s[...] = jnp.zeros(ai_s.shape, jnp.int32)
    rid_s[...] = lax.broadcasted_iota(
        jnp.int32, rid_s.shape, 0).astype(jnp.float32)

  if REM:
    @pl.when(i == nt - 1)
    def _zero_oob():
      w_ref[:, REM:] = jnp.zeros((w_ref.shape[0], VT - REM), jnp.float32)

  wa = jnp.concatenate([w_ref[...], b_ref[...]], axis=0)
  logits = lax.dot_general(
      wa, st_ref[...], (((0,), (0,)), ((), ())),
      preferred_element_type=jnp.float32)

  tmax = jnp.max(logits, axis=0, keepdims=True)
  m_old = m_s[...]
  s_s[...] = s_s[...] + jnp.sum(jnp.exp(logits), axis=0, keepdims=True)
  m_s[...] = jnp.maximum(m_old, tmax)

  big = jnp.float32(2.0**30)
  cand = jnp.where(logits == tmax, rid_s[...], big)
  ti = jnp.min(cand, axis=0, keepdims=True).astype(jnp.int32) + i * VT
  ai_s[...] = jnp.where(tmax > m_old, ti, ai_s[...])

  @pl.when(i == nt - 1)
  def _fini():
    logz_ref[...] = jnp.log(s_s[...])
    pred_ref[...] = ai_s[...]


def _tc_finish(logz_ref, st_ref, wt_ref, loss_ref, *, B):
  tgt = jnp.sum(st_ref[...] * wt_ref[...], axis=0, keepdims=True)
  loss_ref[...] = (jnp.sum(logz_ref[...] - tgt) / B).reshape(1, 1)


def kernel(context, target, emb, W, b):
  B, L = context.shape
  V, D = W.shape
  context = context.astype(jnp.int32)
  target = target.astype(jnp.int32)

  ipw = (B // _NW) * L
  context_r = context.reshape(_NW, ipw // 128, 128)
  summed = _sc_gather_sum(context_r, emb, B, L, D)
  wtgt, btgt = _sc_target_rows(target, W, b, B, D)

  nt = -(-V // _VT)
  vpad = nt * _VT
  rem = V % _VT
  st_aug = jnp.concatenate([summed.T, jnp.ones((1, B), jnp.float32)], axis=0)
  b2 = jnp.pad(b, (0, vpad - V), constant_values=-1e30).reshape(1, vpad)
  wtgt_aug = jnp.concatenate([wtgt.T, btgt.reshape(1, B)], axis=0)

  logz2d, pred2d = pl.pallas_call(
      functools.partial(_tc_body, B=B, VT=_VT, REM=rem),
      grid=(nt,),
      in_specs=[
          pl.BlockSpec((D + 1, B), lambda i: (0, 0)),
          pl.BlockSpec((D, _VT), lambda i: (0, i)),
          pl.BlockSpec((1, _VT), lambda i: (0, i)),
      ],
      out_specs=[
          pl.BlockSpec((1, B), lambda i: (0, 0)),
          pl.BlockSpec((1, B), lambda i: (0, 0)),
      ],
      out_shape=[
          jax.ShapeDtypeStruct((1, B), jnp.float32),
          jax.ShapeDtypeStruct((1, B), jnp.int32),
      ],
      scratch_shapes=[
          pltpu.VMEM((1, B), jnp.float32),
          pltpu.VMEM((1, B), jnp.float32),
          pltpu.VMEM((1, B), jnp.int32),
          pltpu.VMEM((_VT, 1), jnp.float32),
      ],
      compiler_params=pltpu.CompilerParams(
          dimension_semantics=("arbitrary",)),
  )(st_aug, W.T, b2)

  loss2d = pl.pallas_call(
      functools.partial(_tc_finish, B=B),
      out_shape=jax.ShapeDtypeStruct((1, 1), jnp.float32),
  )(logz2d, st_aug, wtgt_aug)

  return (loss2d[0, 0], pred2d.reshape(B))

# --- scband reference (transcript-rebuilt; emitter-appended) ---
"""Pipeline reference for scband-cbow-53163105190372 (READ-ONLY COPY).

The authoritative reference and input builder live on the scoring server;
editing this copy changes nothing except your own understanding.
"""

import jax, jax.numpy as jnp
import numpy as np

V = 1000000
D = 16
B = 1024
L = 40

def setup_inputs(seed: int = 0):
    key = jax.random.key(seed)
    k1, k2, k3, k4 = jax.random.split(key, 4)
    context = jax.random.randint(k1, (B, L), 0, V)
    target = jax.random.randint(k2, (B,), 0, V)
    emb = jax.random.normal(k3, (V, D), dtype=jnp.float32) * 0.1
    W = jax.random.normal(k4, (V, D), dtype=jnp.float32) * 0.02
    b = jnp.zeros((V,), dtype=jnp.float32)
    return {"context": context, "target": target, "emb": emb, "W": W, "b": b}

def reference(context, target, emb, W, b):
    # embedding gather: (B, L, D)
    embedded_context = jnp.take(emb, context, axis=0)
    # sum over context window: (B, D)
    summed = jnp.sum(embedded_context, axis=1)
    # linear to vocab: (B, V)   (torch Linear weight is [out, in])
    logits = summed @ W.T + b
    # cross entropy (mean reduction)
    logz = jax.scipy.special.logsumexp(logits, axis=1)
    tgt_logit = jnp.take_along_axis(logits, target[:, None], axis=1)[:, 0]
    loss = jnp.mean(logz - tgt_logit)
    pred = jnp.argmax(logits, axis=1)
    return (loss, pred)

if __name__ == "__main__":
    import jax
    _d = setup_inputs()
    print(jax.jit(kernel)(*tuple(_d.values())))

</pallas_src>

<mosaic_0001>
#map = affine_map<(d0, d1) -> (0, 0, 0)>
#map1 = affine_map<(d0, d1) -> (0, 0)>
module attributes {stable_mosaic.version = 14 : i64} {
  func.func @sc_a(%arg0: i32, %arg1: i32, %arg2: memref<32x10x128xi32, #tpu.memory_space<hbm>>, %arg3: memref<1000000x16xf32, #tpu.memory_space<hbm>>, %arg4: memref<1024x16xf32, #tpu.memory_space<hbm>>, %arg5: memref<10x128xi32, #tpu.memory_space<vmem>>, %arg6: memref<1280x16xf32, #tpu.memory_space<vmem>>, %arg7: memref<32x16xf32, #tpu.memory_space<vmem>>, %arg8: memref<!tpu.dma_semaphore, #tpu.memory_space<semaphore_mem>>) attributes {dimension_semantics = [#tpu.dimension_semantics<core_parallel>, #tpu.dimension_semantics<subcore_parallel>], iteration_bounds = array<i64: 2, 16>, scalar_prefetch = 0 : i64, scratch_operands = 4 : i64, tpu.core_type = #tpu.core_type<sc_vector_subcore>, window_params = [{transform_indices = #map}, {transform_indices = #map1}, {transform_indices = #map1}]} {
    %mul3A = arith.constant 2 : i32
    %mul3A_0 = arith.muli %arg1, %mul3A : i32
    %add3A = arith.addi %mul3A_0, %arg0 : i32
    %mul3A_1 = arith.constant 32 : i32
    %mul3A_2 = arith.muli %add3A, %mul3A_1 : i32
    "tpu.region"() ({
      %run_scoped3A = tpu.sem_alloc : memref<!tpu.dma_semaphore, #tpu.memory_space<semaphore_mem>>
      %dma_start3A_206 = arith.constant 0 : i32
      %dma_start3A_207 = arith.constant 0 : i32
      %dma_start3A_208 = tpu.memref_slice %arg2[%add3A, %dma_start3A_206, %dma_start3A_207] : memref<32x10x128xi32, #tpu.memory_space<hbm>> -> memref<1x10x128xi32, #tpu.memory_space<hbm>>
      %dma_start3A_209 = tpu.memref_squeeze %dma_start3A_208 : memref<1x10x128xi32, #tpu.memory_space<hbm>> -> memref<10x128xi32, #tpu.memory_space<hbm>>
      %dma_start3A_210 = arith.constant 0 : i32
      %dma_start3A_211 = arith.constant 0 : i32
      %dma_start3A_212 = tpu.memref_slice %arg2[%add3A, %dma_start3A_210, %dma_start3A_211] : memref<32x10x128xi32, #tpu.memory_space<hbm>> -> memref<1x10x128xi32, #tpu.memory_space<hbm>>
      %dma_start3A_213 = tpu.memref_squeeze %dma_start3A_212 : memref<1x10x128xi32, #tpu.memory_space<hbm>> -> memref<10x128xi32, #tpu.memory_space<hbm>>
      tpu.enqueue_dma source(%dma_start3A_213 : memref<10x128xi32, #tpu.memory_space<hbm>>) target(%arg5 : memref<10x128xi32, #tpu.memory_space<vmem>>) target_semaphore(%run_scoped3A : memref<!tpu.dma_semaphore, #tpu.memory_space<semaphore_mem>>)
      %dma_wait3A_214 = arith.constant 0 : i32
      %dma_wait3A_215 = arith.constant 0 : i32
      %dma_wait3A_216 = tpu.memref_slice %arg2[%add3A, %dma_wait3A_214, %dma_wait3A_215] : memref<32x10x128xi32, #tpu.memory_space<hbm>> -> memref<1x10x128xi32, #tpu.memory_space<hbm>>
      %dma_wait3A_217 = tpu.memref_squeeze %dma_wait3A_216 : memref<1x10x128xi32, #tpu.memory_space<hbm>> -> memref<10x128xi32, #tpu.memory_space<hbm>>
      %dma_wait3A_218 = arith.constant 0 : i32
      %dma_wait3A_219 = arith.constant 0 : i32
      %dma_wait3A_220 = tpu.memref_slice %arg2[%add3A, %dma_wait3A_218, %dma_wait3A_219] : memref<32x10x128xi32, #tpu.memory_space<hbm>> -> memref<1x10x128xi32, #tpu.memory_space<hbm>>
      %dma_wait3A_221 = tpu.memref_squeeze %dma_wait3A_220 : memref<1x10x128xi32, #tpu.memory_space<hbm>> -> memref<10x128xi32, #tpu.memory_space<hbm>>
      tpu.wait_dma2 semaphore(%run_scoped3A : memref<!tpu.dma_semaphore, #tpu.memory_space<semaphore_mem>>) src(%dma_wait3A_221 : memref<10x128xi32, #tpu.memory_space<hbm>>) dst(%arg5 : memref<10x128xi32, #tpu.memory_space<vmem>>)
      tpu.yield
    }) : () -> ()
    %dma_start3A = arith.constant 0 : i32
    %dma_start3A_3 = arith.constant 0 : i32
    %dma_start3A_4 = arith.constant 0 : i32
    %dma_start3A_5 = tpu.memref_slice %arg6[%dma_start3A_3, %dma_start3A_4] : memref<1280x16xf32, #tpu.memory_space<vmem>> -> memref<128x16xf32, #tpu.memory_space<vmem>>
    %dma_start3A_6 = arith.constant 0 : i32
    %dma_start3A_7 = tpu.memref_slice %arg5[%dma_start3A, %dma_start3A_6] : memref<10x128xi32, #tpu.memory_space<vmem>> -> memref<1x128xi32, #tpu.memory_space<vmem>>
    %dma_start3A_8 = tpu.memref_squeeze %dma_start3A_7 : memref<1x128xi32, #tpu.memory_space<vmem>> -> memref<128xi32, #tpu.memory_space<vmem>>
    %dma_start3A_9 = arith.constant 0 : i32
    %dma_start3A_10 = arith.constant 0 : i32
    %dma_start3A_11 = tpu.memref_slice %arg3[%dma_start3A_9, %dma_start3A_10] : memref<1000000x16xf32, #tpu.memory_space<hbm>> -> memref<1000000x16xf32, #tpu.memory_space<hbm>>
    tpu.enqueue_indirect_dma source(%dma_start3A_11 : memref<1000000x16xf32, #tpu.memory_space<hbm>>) target(%dma_start3A_5 : memref<128x16xf32, #tpu.memory_space<vmem>>) offsets(%dma_start3A_8 : memref<128xi32, #tpu.memory_space<vmem>>) semaphore(%arg8 : memref<!tpu.dma_semaphore, #tpu.memory_space<semaphore_mem>>)
    %dma_start3A_12 = arith.constant 1 : i32
    %dma_start3A_13 = arith.constant 128 : i32
    %dma_start3A_14 = arith.constant 0 : i32
    %dma_start3A_15 = tpu.memref_slice %arg6[%dma_start3A_13, %dma_start3A_14] : memref<1280x16xf32, #tpu.memory_space<vmem>> -> memref<128x16xf32, #tpu.memory_space<vmem>>
    %dma_start3A_16 = arith.constant 0 : i32
    %dma_start3A_17 = tpu.memref_slice %arg5[%dma_start3A_12, %dma_start3A_16] : memref<10x128xi32, #tpu.memory_space<vmem>> -> memref<1x128xi32, #tpu.memory_space<vmem>>
    %dma_start3A_18 = tpu.memref_squeeze %dma_start3A_17 : memref<1x128xi32, #tpu.memory_space<vmem>> -> memref<128xi32, #tpu.memory_space<vmem>>
    %dma_start3A_19 = arith.constant 0 : i32
    %dma_start3A_20 = arith.constant 0 : i32
    %dma_start3A_21 = tpu.memref_slice %arg3[%dma_start3A_19, %dma_start3A_20] : memref<1000000x16xf32, #tpu.memory_space<hbm>> -> memref<1000000x16xf32, #tpu.memory_space<hbm>>
    tpu.enqueue_indirect_dma source(%dma_start3A_21 : memref<1000000x16xf32, #tpu.memory_space<hbm>>) target(%dma_start3A_15 : memref<128x16xf32, #tpu.memory_space<vmem>>) offsets(%dma_start3A_18 : memref<128xi32, #tpu.memory_space<vmem>>) semaphore(%arg8 : memref<!tpu.dma_semaphore, #tpu.memory_space<semaphore_mem>>)
    %dma_start3A_22 = arith.constant 2 : i32
    %dma_start3A_23 = arith.constant 256 : i32
    %dma_start3A_24 = arith.constant 0 : i32
    %dma_start3A_25 = tpu.memref_slice %arg6[%dma_start3A_23, %dma_start3A_24] : memref<1280x16xf32, #tpu.memory_space<vmem>> -> memref<128x16xf32, #tpu.memory_space<vmem>>
    %dma_start3A_26 = arith.constant 0 : i32
    %dma_start3A_27 = tpu.memref_slice %arg5[%dma_start3A_22, %dma_start3A_26] : memref<10x128xi32, #tpu.memory_space<vmem>> -> memref<1x128xi32, #tpu.memory_space<vmem>>
    %dma_start3A_28 = tpu.memref_squeeze %dma_start3A_27 : memref<1x128xi32, #tpu.memory_space<vmem>> -> memref<128xi32, #tpu.memory_space<vmem>>
    %dma_start3A_29 = arith.constant 0 : i32
    %dma_start3A_30 = arith.constant 0 : i32
    %dma_start3A_31 = tpu.memref_slice %arg3[%dma_start3A_29, %dma_start3A_30] : memref<1000000x16xf32, #tpu.memory_space<hbm>> -> memref<1000000x16xf32, #tpu.memory_space<hbm>>
    tpu.enqueue_indirect_dma source(%dma_start3A_31 : memref<1000000x16xf32, #tpu.memory_space<hbm>>) target(%dma_start3A_25 : memref<128x16xf32, #tpu.memory_space<vmem>>) offsets(%dma_start3A_28 : memref<128xi32, #tpu.memory_space<vmem>>) semaphore(%arg8 : memref<!tpu.dma_semaphore, #tpu.memory_space<semaphore_mem>>)
    %dma_start3A_32 = arith.constant 3 : i32
    %dma_start3A_33 = arith.constant 384 : i32
    %dma_start3A_34 = arith.constant 0 : i32
    %dma_start3A_35 = tpu.memref_slice %arg6[%dma_start3A_33, %dma_start3A_34] : memref<1280x16xf32, #tpu.memory_space<vmem>> -> memref<128x16xf32, #tpu.memory_space<vmem>>
    %dma_start3A_36 = arith.constant 0 : i32
    %dma_start3A_37 = tpu.memref_slice %arg5[%dma_start3A_32, %dma_start3A_36] : memref<10x128xi32, #tpu.memory_space<vmem>> -> memref<1x128xi32, #tpu.memory_space<vmem>>
    %dma_start3A_38 = tpu.memref_squeeze %dma_start3A_37 : memref<1x128xi32, #tpu.memory_space<vmem>> -> memref<128xi32, #tpu.memory_space<vmem>>
    %dma_start3A_39 = arith.constant 0 : i32
    %dma_start3A_40 = arith.constant 0 : i32
    %dma_start3A_41 = tpu.memref_slice %arg3[%dma_start3A_39, %dma_start3A_40] : memref<1000000x16xf32, #tpu.memory_space<hbm>> -> memref<1000000x16xf32, #tpu.memory_space<hbm>>
    tpu.enqueue_indirect_dma source(%dma_start3A_41 : memref<1000000x16xf32, #tpu.memory_space<hbm>>) target(%dma_start3A_35 : memref<128x16xf32, #tpu.memory_space<vmem>>) offsets(%dma_start3A_38 : memref<128xi32, #tpu.memory_space<vmem>>) semaphore(%arg8 : memref<!tpu.dma_semaphore, #tpu.memory_space<semaphore_mem>>)
    %dma_start3A_42 = arith.constant 4 : i32
    %dma_start3A_43 = arith.constant 512 : i32
    %dma_start3A_44 = arith.constant 0 : i32
    %dma_start3A_45 = tpu.memref_slice %arg6[%dma_start3A_43, %dma_start3A_44] : memref<1280x16xf32, #tpu.memory_space<vmem>> -> memref<128x16xf32, #tpu.memory_space<vmem>>
    %dma_start3A_46 = arith.constant 0 : i32
    %dma_start3A_47 = tpu.memref_slice %arg5[%dma_start3A_42, %dma_start3A_46] : memref<10x128xi32, #tpu.memory_space<vmem>> -> memref<1x128xi32, #tpu.memory_space<vmem>>
    %dma_start3A_48 = tpu.memref_squeeze %dma_start3A_47 : memref<1x128xi32, #tpu.memory_space<vmem>> -> memref<128xi32, #tpu.memory_space<vmem>>
    %dma_start3A_49 = arith.constant 0 : i32
    %dma_start3A_50 = arith.constant 0 : i32
    %dma_start3A_51 = tpu.memref_slice %arg3[%dma_start3A_49, %dma_start3A_50] : memref<1000000x16xf32, #tpu.memory_space<hbm>> -> memref<1000000x16xf32, #tpu.memory_space<hbm>>
    tpu.enqueue_indirect_dma source(%dma_start3A_51 : memref<1000000x16xf32, #tpu.memory_space<hbm>>) target(%dma_start3A_45 : memref<128x16xf32, #tpu.memory_space<vmem>>) offsets(%dma_start3A_48 : memref<128xi32, #tpu.memory_space<vmem>>) semaphore(%arg8 : memref<!tpu.dma_semaphore, #tpu.memory_space<semaphore_mem>>)
    %dma_start3A_52 = arith.constant 5 : i32
    %dma_start3A_53 = arith.constant 640 : i32
    %dma_start3A_54 = arith.constant 0 : i32
    %dma_start3A_55 = tpu.memref_slice %arg6[%dma_start3A_53, %dma_start3A_54] : memref<1280x16xf32, #tpu.memory_space<vmem>> -> memref<128x16xf32, #tpu.memory_space<vmem>>
    %dma_start3A_56 = arith.constant 0 : i32
    %dma_start3A_57 = tpu.memref_slice %arg5[%dma_start3A_52, %dma_start3A_56] : memref<10x128xi32, #tpu.memory_space<vmem>> -> memref<1x128xi32, #tpu.memory_space<vmem>>
    %dma_start3A_58 = tpu.memref_squeeze %dma_start3A_57 : memref<1x128xi32, #tpu.memory_space<vmem>> -> memref<128xi32, #tpu.memory_space<vmem>>
    %dma_start3A_59 = arith.constant 0 : i32
    %dma_start3A_60 = arith.constant 0 : i32
    %dma_start3A_61 = tpu.memref_slice %arg3[%dma_start3A_59, %dma_start3A_60] : memref<1000000x16xf32, #tpu.memory_space<hbm>> -> memref<1000000x16xf32, #tpu.memory_space<hbm>>
    tpu.enqueue_indirect_dma source(%dma_start3A_61 : memref<1000000x16xf32, #tpu.memory_space<hbm>>) target(%dma_start3A_55 : memref<128x16xf32, #tpu.memory_space<vmem>>) offsets(%dma_start3A_58 : memref<128xi32, #tpu.memory_space<vmem>>) semaphore(%arg8 : memref<!tpu.dma_semaphore, #tpu.memory_space<semaphore_mem>>)
    %dma_start3A_62 = arith.constant 6 : i32
    %dma_start3A_63 = arith.constant 768 : i32
    %dma_start3A_64 = arith.constant 0 : i32
    %dma_start3A_65 = tpu.memref_slice %arg6[%dma_start3A_63, %dma_start3A_64] : memref<1280x16xf32, #tpu.memory_space<vmem>> -> memref<128x16xf32, #tpu.memory_space<vmem>>
    %dma_start3A_66 = arith.constant 0 : i32
    %dma_start3A_67 = tpu.memref_slice %arg5[%dma_start3A_62, %dma_start3A_66] : memref<10x128xi32, #tpu.memory_space<vmem>> -> memref<1x128xi32, #tpu.memory_space<vmem>>
    %dma_start3A_68 = tpu.memref_squeeze %dma_start3A_67 : memref<1x128xi32, #tpu.memory_space<vmem>> -> memref<128xi32, #tpu.memory_space<vmem>>
    %dma_start3A_69 = arith.constant 0 : i32
    %dma_start3A_70 = arith.constant 0 : i32
    %dma_start3A_71 = tpu.memref_slice %arg3[%dma_start3A_69, %dma_start3A_70] : memref<1000000x16xf32, #tpu.memory_space<hbm>> -> memref<1000000x16xf32, #tpu.memory_space<hbm>>
    tpu.enqueue_indirect_dma source(%dma_start3A_71 : memref<1000000x16xf32, #tpu.memory_space<hbm>>) target(%dma_start3A_65 : memref<128x16xf32, #tpu.memory_space<vmem>>) offsets(%dma_start3A_68 : memref<128xi32, #tpu.memory_space<vmem>>) semaphore(%arg8 : memref<!tpu.dma_semaphore, #tpu.memory_space<semaphore_mem>>)
    %dma_start3A_72 = arith.constant 7 : i32
    %dma_start3A_73 = arith.constant 896 : i32
    %dma_start3A_74 = arith.constant 0 : i32
    %dma_start3A_75 = tpu.memref_slice %arg6[%dma_start3A_73, %dma_start3A_74] : memref<1280x16xf32, #tpu.memory_space<vmem>> -> memref<128x16xf32, #tpu.memory_space<vmem>>
    %dma_start3A_76 = arith.constant 0 : i32
    %dma_start3A_77 = tpu.memref_slice %arg5[%dma_start3A_72, %dma_start3A_76] : memref<10x128xi32, #tpu.memory_space<vmem>> -> memref<1x128xi32, #tpu.memory_space<vmem>>
    %dma_start3A_78 = tpu.memref_squeeze %dma_start3A_77 : memref<1x128xi32, #tpu.memory_space<vmem>> -> memref<128xi32, #tpu.memory_space<vmem>>
    %dma_start3A_79 = arith.constant 0 : i32
    %dma_start3A_80 = arith.constant 0 : i32
    %dma_start3A_81 = tpu.memref_slice %arg3[%dma_start3A_79, %dma_start3A_80] : memref<1000000x16xf32, #tpu.memory_space<hbm>> -> memref<1000000x16xf32, #tpu.memory_space<hbm>>
    tpu.enqueue_indirect_dma source(%dma_start3A_81 : memref<1000000x16xf32, #tpu.memory_space<hbm>>) target(%dma_start3A_75 : memref<128x16xf32, #tpu.memory_space<vmem>>) offsets(%dma_start3A_78 : memref<128xi32, #tpu.memory_space<vmem>>) semaphore(%arg8 : memref<!tpu.dma_semaphore, #tpu.memory_space<semaphore_mem>>)
    %dma_start3A_82 = arith.constant 8 : i32
    %dma_start3A_83 = arith.constant 1024 : i32
    %dma_start3A_84 = arith.constant 0 : i32
    %dma_start3A_85 = tpu.memref_slice %arg6[%dma_start3A_83, %dma_start3A_84] : memref<1280x16xf32, #tpu.memory_space<vmem>> -> memref<128x16xf32, #tpu.memory_space<vmem>>
    %dma_start3A_86 = arith.constant 0 : i32
    %dma_start3A_87 = tpu.memref_slice %arg5[%dma_start3A_82, %dma_start3A_86] : memref<10x128xi32, #tpu.memory_space<vmem>> -> memref<1x128xi32, #tpu.memory_space<vmem>>
    %dma_start3A_88 = tpu.memref_squeeze %dma_start3A_87 : memref<1x128xi32, #tpu.memory_space<vmem>> -> memref<128xi32, #tpu.memory_space<vmem>>
    %dma_start3A_89 = arith.constant 0 : i32
    %dma_start3A_90 = arith.constant 0 : i32
    %dma_start3A_91 = tpu.memref_slice %arg3[%dma_start3A_89, %dma_start3A_90] : memref<1000000x16xf32, #tpu.memory_space<hbm>> -> memref<1000000x16xf32, #tpu.memory_space<hbm>>
    tpu.enqueue_indirect_dma source(%dma_start3A_91 : memref<1000000x16xf32, #tpu.memory_space<hbm>>) target(%dma_start3A_85 : memref<128x16xf32, #tpu.memory_space<vmem>>) offsets(%dma_start3A_88 : memref<128xi32, #tpu.memory_space<vmem>>) semaphore(%arg8 : memref<!tpu.dma_semaphore, #tpu.memory_space<semaphore_mem>>)
    %dma_start3A_92 = arith.constant 9 : i32
    %dma_start3A_93 = arith.constant 1152 : i32
    %dma_start3A_94 = arith.constant 0 : i32
    %dma_start3A_95 = tpu.memref_slice %arg6[%dma_start3A_93, %dma_start3A_94] : memref<1280x16xf32, #tpu.memory_space<vmem>> -> memref<128x16xf32, #tpu.memory_space<vmem>>
    %dma_start3A_96 = arith.constant 0 : i32
    %dma_start3A_97 = tpu.memref_slice %arg5[%dma_start3A_92, %dma_start3A_96] : memref<10x128xi32, #tpu.memory_space<vmem>> -> memref<1x128xi32, #tpu.memory_space<vmem>>
    %dma_start3A_98 = tpu.memref_squeeze %dma_start3A_97 : memref<1x128xi32, #tpu.memory_space<vmem>> -> memref<128xi32, #tpu.memory_space<vmem>>
    %dma_start3A_99 = arith.constant 0 : i32
    %dma_start3A_100 = arith.constant 0 : i32
    %dma_start3A_101 = tpu.memref_slice %arg3[%dma_start3A_99, %dma_start3A_100] : memref<1000000x16xf32, #tpu.memory_space<hbm>> -> memref<1000000x16xf32, #tpu.memory_space<hbm>>
    tpu.enqueue_indirect_dma source(%dma_start3A_101 : memref<1000000x16xf32, #tpu.memory_space<hbm>>) target(%dma_start3A_95 : memref<128x16xf32, #tpu.memory_space<vmem>>) offsets(%dma_start3A_98 : memref<128xi32, #tpu.memory_space<vmem>>) semaphore(%arg8 : memref<!tpu.dma_semaphore, #tpu.memory_space<semaphore_mem>>)
    %dma_wait3A = arith.constant 0 : i32
    %dma_wait3A_102 = arith.constant 0 : i32
    %dma_wait3A_103 = arith.constant 0 : i32
    %dma_wait3A_104 = tpu.memref_slice %arg6[%dma_wait3A_102, %dma_wait3A_103] : memref<1280x16xf32, #tpu.memory_space<vmem>> -> memref<128x16xf32, #tpu.memory_space<vmem>>
    %dma_wait3A_105 = arith.constant 0 : i32
    %dma_wait3A_106 = tpu.memref_slice %arg5[%dma_wait3A, %dma_wait3A_105] : memref<10x128xi32, #tpu.memory_space<vmem>> -> memref<1x128xi32, #tpu.memory_space<vmem>>
    %dma_wait3A_107 = tpu.memref_squeeze %dma_wait3A_106 : memref<1x128xi32, #tpu.memory_space<vmem>> -> memref<128xi32, #tpu.memory_space<vmem>>
    %dma_wait3A_108 = arith.constant 0 : i32
    %dma_wait3A_109 = arith.constant 0 : i32
    %dma_wait3A_110 = tpu.memref_slice %arg3[%dma_wait3A_108, %dma_wait3A_109] : memref<1000000x16xf32, #tpu.memory_space<hbm>> -> memref<1000000x16xf32, #tpu.memory_space<hbm>>
    tpu.wait_indirect_dma semaphore(%arg8 : memref<!tpu.dma_semaphore, #tpu.memory_space<semaphore_mem>>) src(%dma_wait3A_110 : memref<1000000x16xf32, #tpu.memory_space<hbm>>) dst(%dma_wait3A_104 : memref<128x16xf32, #tpu.memory_space<vmem>>)
    %dma_wait3A_111 = arith.constant 1 : i32
    %dma_wait3A_112 = arith.constant 128 : i32
    %dma_wait3A_113 = arith.constant 0 : i32
    %dma_wait3A_114 = tpu.memref_slice %arg6[%dma_wait3A_112, %dma_wait3A_113] : memref<1280x16xf32, #tpu.memory_space<vmem>> -> memref<128x16xf32, #tpu.memory_space<vmem>>
    %dma_wait3A_115 = arith.constant 0 : i32
    %dma_wait3A_116 = tpu.memref_slice %arg5[%dma_wait3A_111, %dma_wait3A_115] : memref<10x128xi32, #tpu.memory_space<vmem>> -> memref<1x128xi32, #tpu.memory_space<vmem>>
    %dma_wait3A_117 = tpu.memref_squeeze %dma_wait3A_116 : memref<1x128xi32, #tpu.memory_space<vmem>> -> memref<128xi32, #tpu.memory_space<vmem>>
    %dma_wait3A_118 = arith.constant 0 : i32
    %dma_wait3A_119 = arith.constant 0 : i32
    %dma_wait3A_120 = tpu.memref_slice %arg3[%dma_wait3A_118, %dma_wait3A_119] : memref<1000000x16xf32, #tpu.memory_space<hbm>> -> memref<1000000x16xf32, #tpu.memory_space<hbm>>
    tpu.wait_indirect_dma semaphore(%arg8 : memref<!tpu.dma_semaphore, #tpu.memory_space<semaphore_mem>>) src(%dma_wait3A_120 : memref<1000000x16xf32, #tpu.memory_space<hbm>>) dst(%dma_wait3A_114 : memref<128x16xf32, #tpu.memory_space<vmem>>)
    %dma_wait3A_121 = arith.constant 2 : i32
    %dma_wait3A_122 = arith.constant 256 : i32
    %dma_wait3A_123 = arith.constant 0 : i32
    %dma_wait3A_124 = tpu.memref_slice %arg6[%dma_wait3A_122, %dma_wait3A_123] : memref<1280x16xf32, #tpu.memory_space<vmem>> -> memref<128x16xf32, #tpu.memory_space<vmem>>
    %dma_wait3A_125 = arith.constant 0 : i32
    %dma_wait3A_126 = tpu.memref_slice %arg5[%dma_wait3A_121, %dma_wait3A_125] : memref<10x128xi32, #tpu.memory_space<vmem>> -> memref<1x128xi32, #tpu.memory_space<vmem>>
    %dma_wait3A_127 = tpu.memref_squeeze %dma_wait3A_126 : memref<1x128xi32, #tpu.memory_space<vmem>> -> memref<128xi32, #tpu.memory_space<vmem>>
    %dma_wait3A_128 = arith.constant 0 : i32
    %dma_wait3A_129 = arith.constant 0 : i32
    %dma_wait3A_130 = tpu.memref_slice %arg3[%dma_wait3A_128, %dma_wait3A_129] : memref<1000000x16xf32, #tpu.memory_space<hbm>> -> memref<1000000x16xf32, #tpu.memory_space<hbm>>
    tpu.wait_indirect_dma semaphore(%arg8 : memref<!tpu.dma_semaphore, #tpu.memory_space<semaphore_mem>>) src(%dma_wait3A_130 : memref<1000000x16xf32, #tpu.memory_space<hbm>>) dst(%dma_wait3A_124 : memref<128x16xf32, #tpu.memory_space<vmem>>)
    %dma_wait3A_131 = arith.constant 3 : i32
    %dma_wait3A_132 = arith.constant 384 : i32
    %dma_wait3A_133 = arith.constant 0 : i32
    %dma_wait3A_134 = tpu.memref_slice %arg6[%dma_wait3A_132, %dma_wait3A_133] : memref<1280x16xf32, #tpu.memory_space<vmem>> -> memref<128x16xf32, #tpu.memory_space<vmem>>
    %dma_wait3A_135 = arith.constant 0 : i32
    %dma_wait3A_136 = tpu.memref_slice %arg5[%dma_wait3A_131, %dma_wait3A_135] : memref<10x128xi32, #tpu.memory_space<vmem>> -> memref<1x128xi32, #tpu.memory_space<vmem>>
    %dma_wait3A_137 = tpu.memref_squeeze %dma_wait3A_136 : memref<1x128xi32, #tpu.memory_space<vmem>> -> memref<128xi32, #tpu.memory_space<vmem>>
    %dma_wait3A_138 = arith.constant 0 : i32
    %dma_wait3A_139 = arith.constant 0 : i32
    %dma_wait3A_140 = tpu.memref_slice %arg3[%dma_wait3A_138, %dma_wait3A_139] : memref<1000000x16xf32, #tpu.memory_space<hbm>> -> memref<1000000x16xf32, #tpu.memory_space<hbm>>
    tpu.wait_indirect_dma semaphore(%arg8 : memref<!tpu.dma_semaphore, #tpu.memory_space<semaphore_mem>>) src(%dma_wait3A_140 : memref<1000000x16xf32, #tpu.memory_space<hbm>>) dst(%dma_wait3A_134 : memref<128x16xf32, #tpu.memory_space<vmem>>)
    %dma_wait3A_141 = arith.constant 4 : i32
    %dma_wait3A_142 = arith.constant 512 : i32
    %dma_wait3A_143 = arith.constant 0 : i32
    %dma_wait3A_144 = tpu.memref_slice %arg6[%dma_wait3A_142, %dma_wait3A_143] : memref<1280x16xf32, #tpu.memory_space<vmem>> -> memref<128x16xf32, #tpu.memory_space<vmem>>
    %dma_wait3A_145 = arith.constant 0 : i32
    %dma_wait3A_146 = tpu.memref_slice %arg5[%dma_wait3A_141, %dma_wait3A_145] : memref<10x128xi32, #tpu.memory_space<vmem>> -> memref<1x128xi32, #tpu.memory_space<vmem>>
    %dma_wait3A_147 = tpu.memref_squeeze %dma_wait3A_146 : memref<1x128xi32, #tpu.memory_space<vmem>> -> memref<128xi32, #tpu.memory_space<vmem>>
    %dma_wait3A_148 = arith.constant 0 : i32
    %dma_wait3A_149 = arith.constant 0 : i32
    %dma_wait3A_150 = tpu.memref_slice %arg3[%dma_wait3A_148, %dma_wait3A_149] : memref<1000000x16xf32, #tpu.memory_space<hbm>> -> memref<1000000x16xf32, #tpu.memory_space<hbm>>
    tpu.wait_indirect_dma semaphore(%arg8 : memref<!tpu.dma_semaphore, #tpu.memory_space<semaphore_mem>>) src(%dma_wait3A_150 : memref<1000000x16xf32, #tpu.memory_space<hbm>>) dst(%dma_wait3A_144 : memref<128x16xf32, #tpu.memory_space<vmem>>)
    %dma_wait3A_151 = arith.constant 5 : i32
    %dma_wait3A_152 = arith.constant 640 : i32
    %dma_wait3A_153 = arith.constant 0 : i32
    %dma_wait3A_154 = tpu.memref_slice %arg6[%dma_wait3A_152, %dma_wait3A_153] : memref<1280x16xf32, #tpu.memory_space<vmem>> -> memref<128x16xf32, #tpu.memory_space<vmem>>
    %dma_wait3A_155 = arith.constant 0 : i32
    %dma_wait3A_156 = tpu.memref_slice %arg5[%dma_wait3A_151, %dma_wait3A_155] : memref<10x128xi32, #tpu.memory_space<vmem>> -> memref<1x128xi32, #tpu.memory_space<vmem>>
    %dma_wait3A_157 = tpu.memref_squeeze %dma_wait3A_156 : memref<1x128xi32, #tpu.memory_space<vmem>> -> memref<128xi32, #tpu.memory_space<vmem>>
    %dma_wait3A_158 = arith.constant 0 : i32
    %dma_wait3A_159 = arith.constant 0 : i32
    %dma_wait3A_160 = tpu.memref_slice %arg3[%dma_wait3A_158, %dma_wait3A_159] : memref<1000000x16xf32, #tpu.memory_space<hbm>> -> memref<1000000x16xf32, #tpu.memory_space<hbm>>
    tpu.wait_indirect_dma semaphore(%arg8 : memref<!tpu.dma_semaphore, #tpu.memory_space<semaphore_mem>>) src(%dma_wait3A_160 : memref<1000000x16xf32, #tpu.memory_space<hbm>>) dst(%dma_wait3A_154 : memref<128x16xf32, #tpu.memory_space<vmem>>)
    %dma_wait3A_161 = arith.constant 6 : i32
    %dma_wait3A_162 = arith.constant 768 : i32
    %dma_wait3A_163 = arith.constant 0 : i32
    %dma_wait3A_164 = tpu.memref_slice %arg6[%dma_wait3A_162, %dma_wait3A_163] : memref<1280x16xf32, #tpu.memory_space<vmem>> -> memref<128x16xf32, #tpu.memory_space<vmem>>
    %dma_wait3A_165 = arith.constant 0 : i32
    %dma_wait3A_166 = tpu.memref_slice %arg5[%dma_wait3A_161, %dma_wait3A_165] : memref<10x128xi32, #tpu.memory_space<vmem>> -> memref<1x128xi32, #tpu.memory_space<vmem>>
    %dma_wait3A_167 = tpu.memref_squeeze %dma_wait3A_166 : memref<1x128xi32, #tpu.memory_space<vmem>> -> memref<128xi32, #tpu.memory_space<vmem>>
    %dma_wait3A_168 = arith.constant 0 : i32
    %dma_wait3A_169 = arith.constant 0 : i32
    %dma_wait3A_170 = tpu.memref_slice %arg3[%dma_wait3A_168, %dma_wait3A_169] : memref<1000000x16xf32, #tpu.memory_space<hbm>> -> memref<1000000x16xf32, #tpu.memory_space<hbm>>
    tpu.wait_indirect_dma semaphore(%arg8 : memref<!tpu.dma_semaphore, #tpu.memory_space<semaphore_mem>>) src(%dma_wait3A_170 : memref<1000000x16xf32, #tpu.memory_space<hbm>>) dst(%dma_wait3A_164 : memref<128x16xf32, #tpu.memory_space<vmem>>)
    %dma_wait3A_171 = arith.constant 7 : i32
    %dma_wait3A_172 = arith.constant 896 : i32
    %dma_wait3A_173 = arith.constant 0 : i32
    %dma_wait3A_174 = tpu.memref_slice %arg6[%dma_wait3A_172, %dma_wait3A_173] : memref<1280x16xf32, #tpu.memory_space<vmem>> -> memref<128x16xf32, #tpu.memory_space<vmem>>
    %dma_wait3A_175 = arith.constant 0 : i32
    %dma_wait3A_176 = tpu.memref_slice %arg5[%dma_wait3A_171, %dma_wait3A_175] : memref<10x128xi32, #tpu.memory_space<vmem>> -> memref<1x128xi32, #tpu.memory_space<vmem>>
    %dma_wait3A_177 = tpu.memref_squeeze %dma_wait3A_176 : memref<1x128xi32, #tpu.memory_space<vmem>> -> memref<128xi32, #tpu.memory_space<vmem>>
    %dma_wait3A_178 = arith.constant 0 : i32
    %dma_wait3A_179 = arith.constant 0 : i32
    %dma_wait3A_180 = tpu.memref_slice %arg3[%dma_wait3A_178, %dma_wait3A_179] : memref<1000000x16xf32, #tpu.memory_space<hbm>> -> memref<1000000x16xf32, #tpu.memory_space<hbm>>
    tpu.wait_indirect_dma semaphore(%arg8 : memref<!tpu.dma_semaphore, #tpu.memory_space<semaphore_mem>>) src(%dma_wait3A_180 : memref<1000000x16xf32, #tpu.memory_space<hbm>>) dst(%dma_wait3A_174 : memref<128x16xf32, #tpu.memory_space<vmem>>)
    %dma_wait3A_181 = arith.constant 8 : i32
    %dma_wait3A_182 = arith.constant 1024 : i32
    %dma_wait3A_183 = arith.constant 0 : i32
    %dma_wait3A_184 = tpu.memref_slice %arg6[%dma_wait3A_182, %dma_wait3A_183] : memref<1280x16xf32, #tpu.memory_space<vmem>> -> memref<128x16xf32, #tpu.memory_space<vmem>>
    %dma_wait3A_185 = arith.constant 0 : i32
    %dma_wait3A_186 = tpu.memref_slice %arg5[%dma_wait3A_181, %dma_wait3A_185] : memref<10x128xi32, #tpu.memory_space<vmem>> -> memref<1x128xi32, #tpu.memory_space<vmem>>
    %dma_wait3A_187 = tpu.memref_squeeze %dma_wait3A_186 : memref<1x128xi32, #tpu.memory_space<vmem>> -> memref<128xi32, #tpu.memory_space<vmem>>
    %dma_wait3A_188 = arith.constant 0 : i32
    %dma_wait3A_189 = arith.constant 0 : i32
    %dma_wait3A_190 = tpu.memref_slice %arg3[%dma_wait3A_188, %dma_wait3A_189] : memref<1000000x16xf32, #tpu.memory_space<hbm>> -> memref<1000000x16xf32, #tpu.memory_space<hbm>>
    tpu.wait_indirect_dma semaphore(%arg8 : memref<!tpu.dma_semaphore, #tpu.memory_space<semaphore_mem>>) src(%dma_wait3A_190 : memref<1000000x16xf32, #tpu.memory_space<hbm>>) dst(%dma_wait3A_184 : memref<128x16xf32, #tpu.memory_space<vmem>>)
    %dma_wait3A_191 = arith.constant 9 : i32
    %dma_wait3A_192 = arith.constant 1152 : i32
    %dma_wait3A_193 = arith.constant 0 : i32
    %dma_wait3A_194 = tpu.memref_slice %arg6[%dma_wait3A_192, %dma_wait3A_193] : memref<1280x16xf32, #tpu.memory_space<vmem>> -> memref<128x16xf32, #tpu.memory_space<vmem>>
    %dma_wait3A_195 = arith.constant 0 : i32
    %dma_wait3A_196 = tpu.memref_slice %arg5[%dma_wait3A_191, %dma_wait3A_195] : memref<10x128xi32, #tpu.memory_space<vmem>> -> memref<1x128xi32, #tpu.memory_space<vmem>>
    %dma_wait3A_197 = tpu.memref_squeeze %dma_wait3A_196 : memref<1x128xi32, #tpu.memory_space<vmem>> -> memref<128xi32, #tpu.memory_space<vmem>>
    %dma_wait3A_198 = arith.constant 0 : i32
    %dma_wait3A_199 = arith.constant 0 : i32
    %dma_wait3A_200 = tpu.memref_slice %arg3[%dma_wait3A_198, %dma_wait3A_199] : memref<1000000x16xf32, #tpu.memory_space<hbm>> -> memref<1000000x16xf32, #tpu.memory_space<hbm>>
    tpu.wait_indirect_dma semaphore(%arg8 : memref<!tpu.dma_semaphore, #tpu.memory_space<semaphore_mem>>) src(%dma_wait3A_200 : memref<1000000x16xf32, #tpu.memory_space<hbm>>) dst(%dma_wait3A_194 : memref<128x16xf32, #tpu.memory_space<vmem>>)
    %scan3A = arith.constant 0 : i32
    %scan3A_201 = arith.constant 0 : i32
    %scan3A_202 = arith.constant 32 : i32
    %scan3A_203 = arith.addi %scan3A_201, %scan3A_202 : i32
    %scan3A_204 = arith.constant 1 : i32
    scf.for %scan3A_206 = %scan3A_201 to %scan3A_203 step %scan3A_204  : i32 {
      %mul3A_207 = arith.constant 40 : i32
      %mul3A_208 = arith.muli %scan3A_206, %mul3A_207 : i32
      %get3A = arith.index_cast %mul3A_208 : i32 to index
      %get3A_209 = arith.constant 0 : index
      %get3A_210 = tpu.vector_load %arg6[%get3A, %get3A_209] {strides = array<i32>} : memref<1280x16xf32, #tpu.memory_space<vmem>>, vector<1x16xf32>,
      %get3A_211 = vector.shape_cast %get3A_210 : vector<1x16xf32> to vector<16xf32>
      %mul3A_212 = arith.constant 40 : i32
      %mul3A_213 = arith.muli %scan3A_206, %mul3A_212 : i32
      %add3A_214 = arith.constant 1 : i32
      %add3A_215 = arith.addi %mul3A_213, %add3A_214 : i32
      %get3A_216 = arith.index_cast %add3A_215 : i32 to index
      %get3A_217 = arith.constant 0 : index
      %get3A_218 = tpu.vector_load %arg6[%get3A_216, %get3A_217] {strides = array<i32>} : memref<1280x16xf32, #tpu.memory_space<vmem>>, vector<1x16xf32>,
      %get3A_219 = vector.shape_cast %get3A_218 : vector<1x16xf32> to vector<16xf32>
      %add3A_220 = arith.addf %get3A_211, %get3A_219 : vector<16xf32>
      %mul3A_221 = arith.constant 40 : i32
      %mul3A_222 = arith.muli %scan3A_206, %mul3A_221 : i32
      %add3A_223 = arith.constant 2 : i32
      %add3A_224 = arith.addi %mul3A_222, %add3A_223 : i32
      %get3A_225 = arith.index_cast %add3A_224 : i32 to index
      %get3A_226 = arith.constant 0 : index
      %get3A_227 = tpu.vector_load %arg6[%get3A_225, %get3A_226] {strides = array<i32>} : memref<1280x16xf32, #tpu.memory_space<vmem>>, vector<1x16xf32>,
      %get3A_228 = vector.shape_cast %get3A_227 : vector<1x16xf32> to vector<16xf32>
      %add3A_229 = arith.addf %add3A_220, %get3A_228 : vector<16xf32>
      %mul3A_230 = arith.constant 40 : i32
      %mul3A_231 = arith.muli %scan3A_206, %mul3A_230 : i32
      %add3A_232 = arith.constant 3 : i32
      %add3A_233 = arith.addi %mul3A_231, %add3A_232 : i32
      %get3A_234 = arith.index_cast %add3A_233 : i32 to index
      %get3A_235 = arith.constant 0 : index
      %get3A_236 = tpu.vector_load %arg6[%get3A_234, %get3A_235] {strides = array<i32>} : memref<1280x16xf32, #tpu.memory_space<vmem>>, vector<1x16xf32>,
      %get3A_237 = vector.shape_cast %get3A_236 : vector<1x16xf32> to vector<16xf32>
      %add3A_238 = arith.addf %add3A_229, %get3A_237 : vector<16xf32>
      %mul3A_239 = arith.constant 40 : i32
      %mul3A_240 = arith.muli %scan3A_206, %mul3A_239 : i32
      %add3A_241 = arith.constant 4 : i32
      %add3A_242 = arith.addi %mul3A_240, %add3A_241 : i32
      %get3A_243 = arith.index_cast %add3A_242 : i32 to index
      %get3A_244 = arith.constant 0 : index
      %get3A_245 = tpu.vector_load %arg6[%get3A_243, %get3A_244] {strides = array<i32>} : memref<1280x16xf32, #tpu.memory_space<vmem>>, vector<1x16xf32>,
      %get3A_246 = vector.shape_cast %get3A_245 : vector<1x16xf32> to vector<16xf32>
      %add3A_247 = arith.addf %add3A_238, %get3A_246 : vector<16xf32>
      %mul3A_248 = arith.constant 40 : i32
      %mul3A_249 = arith.muli %scan3A_206, %mul3A_248 : i32
      %add3A_250 = arith.constant 5 : i32
      %add3A_251 = arith.addi %mul3A_249, %add3A_250 : i32
      %get3A_252 = arith.index_cast %add3A_251 : i32 to index
      %get3A_253 = arith.constant 0 : index
      %get3A_254 = tpu.vector_load %arg6[%get3A_252, %get3A_253] {strides = array<i32>} : memref<1280x16xf32, #tpu.memory_space<vmem>>, vector<1x16xf32>,
      %get3A_255 = vector.shape_cast %get3A_254 : vector<1x16xf32> to vector<16xf32>
      %add3A_256 = arith.addf %add3A_247, %get3A_255 : vector<16xf32>
      %mul3A_257 = arith.constant 40 : i32
      %mul3A_258 = arith.muli %scan3A_206, %mul3A_257 : i32
      %add3A_259 = arith.constant 6 : i32
      %add3A_260 = arith.addi %mul3A_258, %add3A_259 : i32
      %get3A_261 = arith.index_cast %add3A_260 : i32 to index
      %get3A_262 = arith.constant 0 : index
      %get3A_263 = tpu.vector_load %arg6[%get3A_261, %get3A_262] {strides = array<i32>} : memref<1280x16xf32, #tpu.memory_space<vmem>>, vector<1x16xf32>,
      %get3A_264 = vector.shape_cast %get3A_263 : vector<1x16xf32> to vector<16xf32>
      %add3A_265 = arith.addf %add3A_256, %get3A_264 : vector<16xf32>
      %mul3A_266 = arith.constant 40 : i32
      %mul3A_267 = arith.muli %scan3A_206, %mul3A_266 : i32
      %add3A_268 = arith.constant 7 : i32
      %add3A_269 = arith.addi %mul3A_267, %add3A_268 : i32
      %get3A_270 = arith.index_cast %add3A_269 : i32 to index
      %get3A_271 = arith.constant 0 : index
      %get3A_272 = tpu.vector_load %arg6[%get3A_270, %get3A_271] {strides = array<i32>} : memref<1280x16xf32, #tpu.memory_space<vmem>>, vector<1x16xf32>,
      %get3A_273 = vector.shape_cast %get3A_272 : vector<1x16xf32> to vector<16xf32>
      %add3A_274 = arith.addf %add3A_265, %get3A_273 : vector<16xf32>
      %mul3A_275 = arith.constant 40 : i32
      %mul3A_276 = arith.muli %scan3A_206, %mul3A_275 : i32
      %add3A_277 = arith.constant 8 : i32
      %add3A_278 = arith.addi %mul3A_276, %add3A_277 : i32
      %get3A_279 = arith.index_cast %add3A_278 : i32 to index
      %get3A_280 = arith.constant 0 : index
      %get3A_281 = tpu.vector_load %arg6[%get3A_279, %get3A_280] {strides = array<i32>} : memref<1280x16xf32, #tpu.memory_space<vmem>>, vector<1x16xf32>,
      %get3A_282 = vector.shape_cast %get3A_281 : vector<1x16xf32> to vector<16xf32>
      %add3A_283 = arith.addf %add3A_274, %get3A_282 : vector<16xf32>
      %mul3A_284 = arith.constant 40 : i32
      %mul3A_285 = arith.muli %scan3A_206, %mul3A_284 : i32
      %add3A_286 = arith.constant 9 : i32
      %add3A_287 = arith.addi %mul3A_285, %add3A_286 : i32
      %get3A_288 = arith.index_cast %add3A_287 : i32 to index
      %get3A_289 = arith.constant 0 : index
      %get3A_290 = tpu.vector_load %arg6[%get3A_288, %get3A_289] {strides = array<i32>} : memref<1280x16xf32, #tpu.memory_space<vmem>>, vector<1x16xf32>,
      %get3A_291 = vector.shape_cast %get3A_290 : vector<1x16xf32> to vector<16xf32>
      %add3A_292 = arith.addf %add3A_283, %get3A_291 : vector<16xf32>
      %mul3A_293 = arith.constant 40 : i32
      %mul3A_294 = arith.muli %scan3A_206, %mul3A_293 : i32
      %add3A_295 = arith.constant 10 : i32
      %add3A_296 = arith.addi %mul3A_294, %add3A_295 : i32
      %get3A_297 = arith.index_cast %add3A_296 : i32 to index
      %get3A_298 = arith.constant 0 : index
      %get3A_299 = tpu.vector_load %arg6[%get3A_297, %get3A_298] {strides = array<i32>} : memref<1280x16xf32, #tpu.memory_space<vmem>>, vector<1x16xf32>,
      %get3A_300 = vector.shape_cast %get3A_299 : vector<1x16xf32> to vector<16xf32>
      %add3A_301 = arith.addf %add3A_292, %get3A_300 : vector<16xf32>
      %mul3A_302 = arith.constant 40 : i32
      %mul3A_303 = arith.muli %scan3A_206, %mul3A_302 : i32
      %add3A_304 = arith.constant 11 : i32
      %add3A_305 = arith.addi %mul3A_303, %add3A_304 : i32
      %get3A_306 = arith.index_cast %add3A_305 : i32 to index
      %get3A_307 = arith.constant 0 : index
      %get3A_308 = tpu.vector_load %arg6[%get3A_306, %get3A_307] {strides = array<i32>} : memref<1280x16xf32, #tpu.memory_space<vmem>>, vector<1x16xf32>,
      %get3A_309 = vector.shape_cast %get3A_308 : vector<1x16xf32> to vector<16xf32>
      %add3A_310 = arith.addf %add3A_301, %get3A_309 : vector<16xf32>
      %mul3A_311 = arith.constant 40 : i32
      %mul3A_312 = arith.muli %scan3A_206, %mul3A_311 : i32
      %add3A_313 = arith.constant 12 : i32
      %add3A_314 = arith.addi %mul3A_312, %add3A_313 : i32
      %get3A_315 = arith.index_cast %add3A_314 : i32 to index
      %get3A_316 = arith.constant 0 : index
      %get3A_317 = tpu.vector_load %arg6[%get3A_315, %get3A_316] {strides = array<i32>} : memref<1280x16xf32, #tpu.memory_space<vmem>>, vector<1x16xf32>,
      %get3A_318 = vector.shape_cast %get3A_317 : vector<1x16xf32> to vector<16xf32>
      %add3A_319 = arith.addf %add3A_310, %get3A_318 : vector<16xf32>
      %mul3A_320 = arith.constant 40 : i32
      %mul3A_321 = arith.muli %scan3A_206, %mul3A_320 : i32
      %add3A_322 = arith.constant 13 : i32
      %add3A_323 = arith.addi %mul3A_321, %add3A_322 : i32
      %get3A_324 = arith.index_cast %add3A_323 : i32 to index
      %get3A_325 = arith.constant 0 : index
      %get3A_326 = tpu.vector_load %arg6[%get3A_324, %get3A_325] {strides = array<i32>} : memref<1280x16xf32, #tpu.memory_space<vmem>>, vector<1x16xf32>,
      %get3A_327 = vector.shape_cast %get3A_326 : vector<1x16xf32> to vector<16xf32>
      %add3A_328 = arith.addf %add3A_319, %get3A_327 : vector<16xf32>
      %mul3A_329 = arith.constant 40 : i32
      %mul3A_330 = arith.muli %scan3A_206, %mul3A_329 : i32
      %add3A_331 = arith.constant 14 : i32
      %add3A_332 = arith.addi %mul3A_330, %add3A_331 : i32
      %get3A_333 = arith.index_cast %add3A_332 : i32 to index
      %get3A_334 = arith.constant 0 : index
      %get3A_335 = tpu.vector_load %arg6[%get3A_333, %get3A_334] {strides = array<i32>} : memref<1280x16xf32, #tpu.memory_space<vmem>>, vector<1x16xf32>,
      %get3A_336 = vector.shape_cast %get3A_335 : vector<1x16xf32> to vector<16xf32>
      %add3A_337 = arith.addf %add3A_328, %get3A_336 : vector<16xf32>
      %mul3A_338 = arith.constant 40 : i32
      %mul3A_339 = arith.muli %scan3A_206, %mul3A_338 : i32
      %add3A_340 = arith.constant 15 : i32
      %add3A_341 = arith.addi %mul3A_339, %add3A_340 : i32
      %get3A_342 = arith.index_cast %add3A_341 : i32 to index
      %get3A_343 = arith.constant 0 : index
      %get3A_344 = tpu.vector_load %arg6[%get3A_342, %get3A_343] {strides = array<i32>} : memref<1280x16xf32, #tpu.memory_space<vmem>>, vector<1x16xf32>,
      %get3A_345 = vector.shape_cast %get3A_344 : vector<1x16xf32> to vector<16xf32>
      %add3A_346 = arith.addf %add3A_337, %get3A_345 : vector<16xf32>
      %mul3A_347 = arith.constant 40 : i32
      %mul3A_348 = arith.muli %scan3A_206, %mul3A_347 : i32
      %add3A_349 = arith.constant 16 : i32
      %add3A_350 = arith.addi %mul3A_348, %add3A_349 : i32
      %get3A_351 = arith.index_cast %add3A_350 : i32 to index
      %get3A_352 = arith.constant 0 : index
      %get3A_353 = tpu.vector_load %arg6[%get3A_351, %get3A_352] {strides = array<i32>} : memref<1280x16xf32, #tpu.memory_space<vmem>>, vector<1x16xf32>,
      %get3A_354 = vector.shape_cast %get3A_353 : vector<1x16xf32> to vector<16xf32>
      %add3A_355 = arith.addf %add3A_346, %get3A_354 : vector<16xf32>
      %mul3A_356 = arith.constant 40 : i32
      %mul3A_357 = arith.muli %scan3A_206, %mul3A_356 : i32
      %add3A_358 = arith.constant 17 : i32
      %add3A_359 = arith.addi %mul3A_357, %add3A_358 : i32
      %get3A_360 = arith.index_cast %add3A_359 : i32 to index
      %get3A_361 = arith.constant 0 : index
      %get3A_362 = tpu.vector_load %arg6[%get3A_360, %get3A_361] {strides = array<i32>} : memref<1280x16xf32, #tpu.memory_space<vmem>>, vector<1x16xf32>,
      %get3A_363 = vector.shape_cast %get3A_362 : vector<1x16xf32> to vector<16xf32>
      %add3A_364 = arith.addf %add3A_355, %get3A_363 : vector<16xf32>
      %mul3A_365 = arith.constant 40 : i32
      %mul3A_366 = arith.muli %scan3A_206, %mul3A_365 : i32
      %add3A_367 = arith.constant 18 : i32
      %add3A_368 = arith.addi %mul3A_366, %add3A_367 : i32
      %get3A_369 = arith.index_cast %add3A_368 : i32 to index
      %get3A_370 = arith.constant 0 : index
      %get3A_371 = tpu.vector_load %arg6[%get3A_369, %get3A_370] {strides = array<i32>} : memref<1280x16xf32, #tpu.memory_space<vmem>>, vector<1x16xf32>,
      %get3A_372 = vector.shape_cast %get3A_371 : vector<1x16xf32> to vector<16xf32>
      %add3A_373 = arith.addf %add3A_364, %get3A_372 : vector<16xf32>
      %mul3A_374 = arith.constant 40 : i32
      %mul3A_375 = arith.muli %scan3A_206, %mul3A_374 : i32
      %add3A_376 = arith.constant 19 : i32
      %add3A_377 = arith.addi %mul3A_375, %add3A_376 : i32
      %get3A_378 = arith.index_cast %add3A_377 : i32 to index
      %get3A_379 = arith.constant 0 : index
      %get3A_380 = tpu.vector_load %arg6[%get3A_378, %get3A_379] {strides = array<i32>} : memref<1280x16xf32, #tpu.memory_space<vmem>>, vector<1x16xf32>,
      %get3A_381 = vector.shape_cast %get3A_380 : vector<1x16xf32> to vector<16xf32>
      %add3A_382 = arith.addf %add3A_373, %get3A_381 : vector<16xf32>
      %mul3A_383 = arith.constant 40 : i32
      %mul3A_384 = arith.muli %scan3A_206, %mul3A_383 : i32
      %add3A_385 = arith.constant 20 : i32
      %add3A_386 = arith.addi %mul3A_384, %add3A_385 : i32
      %get3A_387 = arith.index_cast %add3A_386 : i32 to index
      %get3A_388 = arith.constant 0 : index
      %get3A_389 = tpu.vector_load %arg6[%get3A_387, %get3A_388] {strides = array<i32>} : memref<1280x16xf32, #tpu.memory_space<vmem>>, vector<1x16xf32>,
      %get3A_390 = vector.shape_cast %get3A_389 : vector<1x16xf32> to vector<16xf32>
      %add3A_391 = arith.addf %add3A_382, %get3A_390 : vector<16xf32>
      %mul3A_392 = arith.constant 40 : i32
      %mul3A_393 = arith.muli %scan3A_206, %mul3A_392 : i32
      %add3A_394 = arith.constant 21 : i32
      %add3A_395 = arith.addi %mul3A_393, %add3A_394 : i32
      %get3A_396 = arith.index_cast %add3A_395 : i32 to index
      %get3A_397 = arith.constant 0 : index
      %get3A_398 = tpu.vector_load %arg6[%get3A_396, %get3A_397] {strides = array<i32>} : memref<1280x16xf32, #tpu.memory_space<vmem>>, vector<1x16xf32>,
      %get3A_399 = vector.shape_cast %get3A_398 : vector<1x16xf32> to vector<16xf32>
      %add3A_400 = arith.addf %add3A_391, %get3A_399 : vector<16xf32>
      %mul3A_401 = arith.constant 40 : i32
      %mul3A_402 = arith.muli %scan3A_206, %mul3A_401 : i32
      %add3A_403 = arith.constant 22 : i32
      %add3A_404 = arith.addi %mul3A_402, %add3A_403 : i32
      %get3A_405 = arith.index_cast %add3A_404 : i32 to index
      %get3A_406 = arith.constant 0 : index
      %get3A_407 = tpu.vector_load %arg6[%get3A_405, %get3A_406] {strides = array<i32>} : memref<1280x16xf32, #tpu.memory_space<vmem>>, vector<1x16xf32>,
      %get3A_408 = vector.shape_cast %get3A_407 : vector<1x16xf32> to vector<16xf32>
      %add3A_409 = arith.addf %add3A_400, %get3A_408 : vector<16xf32>
      %mul3A_410 = arith.constant 40 : i32
      %mul3A_411 = arith.muli %scan3A_206, %mul3A_410 : i32
      %add3A_412 = arith.constant 23 : i32
      %add3A_413 = arith.addi %mul3A_411, %add3A_412 : i32
      %get3A_414 = arith.index_cast %add3A_413 : i32 to index
      %get3A_415 = arith.constant 0 : index
      %get3A_416 = tpu.vector_load %arg6[%get3A_414, %get3A_415] {strides = array<i32>} : memref<1280x16xf32, #tpu.memory_space<vmem>>, vector<1x16xf32>,
      %get3A_417 = vector.shape_cast %get3A_416 : vector<1x16xf32> to vector<16xf32>
      %add3A_418 = arith.addf %add3A_409, %get3A_417 : vector<16xf32>
      %mul3A_419 = arith.constant 40 : i32
      %mul3A_420 = arith.muli %scan3A_206, %mul3A_419 : i32
      %add3A_421 = arith.constant 24 : i32
      %add3A_422 = arith.addi %mul3A_420, %add3A_421 : i32
      %get3A_423 = arith.index_cast %add3A_422 : i32 to index
      %get3A_424 = arith.constant 0 : index
      %get3A_425 = tpu.vector_load %arg6[%get3A_423, %get3A_424] {strides = array<i32>} : memref<1280x16xf32, #tpu.memory_space<vmem>>, vector<1x16xf32>,
      %get3A_426 = vector.shape_cast %get3A_425 : vector<1x16xf32> to vector<16xf32>
      %add3A_427 = arith.addf %add3A_418, %get3A_426 : vector<16xf32>
      %mul3A_428 = arith.constant 40 : i32
      %mul3A_429 = arith.muli %scan3A_206, %mul3A_428 : i32
      %add3A_430 = arith.constant 25 : i32
      %add3A_431 = arith.addi %mul3A_429, %add3A_430 : i32
      %get3A_432 = arith.index_cast %add3A_431 : i32 to index
      %get3A_433 = arith.constant 0 : index
      %get3A_434 = tpu.vector_load %arg6[%get3A_432, %get3A_433] {strides = array<i32>} : memref<1280x16xf32, #tpu.memory_space<vmem>>, vector<1x16xf32>,
      %get3A_435 = vector.shape_cast %get3A_434 : vector<1x16xf32> to vector<16xf32>
      %add3A_436 = arith.addf %add3A_427, %get3A_435 : vector<16xf32>
      %mul3A_437 = arith.constant 40 : i32
      %mul3A_438 = arith.muli %scan3A_206, %mul3A_437 : i32
      %add3A_439 = arith.constant 26 : i32
      %add3A_440 = arith.addi %mul3A_438, %add3A_439 : i32
      %get3A_441 = arith.index_cast %add3A_440 : i32 to index
      %get3A_442 = arith.constant 0 : index
      %get3A_443 = tpu.vector_load %arg6[%get3A_441, %get3A_442] {strides = array<i32>} : memref<1280x16xf32, #tpu.memory_space<vmem>>, vector<1x16xf32>,
      %get3A_444 = vector.shape_cast %get3A_443 : vector<1x16xf32> to vector<16xf32>
      %add3A_445 = arith.addf %add3A_436, %get3A_444 : vector<16xf32>
      %mul3A_446 = arith.constant 40 : i32
      %mul3A_447 = arith.muli %scan3A_206, %mul3A_446 : i32
      %add3A_448 = arith.constant 27 : i32
      %add3A_449 = arith.addi %mul3A_447, %add3A_448 : i32
      %get3A_450 = arith.index_cast %add3A_449 : i32 to index
      %get3A_451 = arith.constant 0 : index
      %get3A_452 = tpu.vector_load %arg6[%get3A_450, %get3A_451] {strides = array<i32>} : memref<1280x16xf32, #tpu.memory_space<vmem>>, vector<1x16xf32>,
      %get3A_453 = vector.shape_cast %get3A_452 : vector<1x16xf32> to vector<16xf32>
      %add3A_454 = arith.addf %add3A_445, %get3A_453 : vector<16xf32>
      %mul3A_455 = arith.constant 40 : i32
      %mul3A_456 = arith.muli %scan3A_206, %mul3A_455 : i32
      %add3A_457 = arith.constant 28 : i32
      %add3A_458 = arith.addi %mul3A_456, %add3A_457 : i32
      %get3A_459 = arith.index_cast %add3A_458 : i32 to index
      %get3A_460 = arith.constant 0 : index
      %get3A_461 = tpu.vector_load %arg6[%get3A_459, %get3A_460] {strides = array<i32>} : memref<1280x16xf32, #tpu.memory_space<vmem>>, vector<1x16xf32>,
      %get3A_462 = vector.shape_cast %get3A_461 : vector<1x16xf32> to vector<16xf32>
      %add3A_463 = arith.addf %add3A_454, %get3A_462 : vector<16xf32>
      %mul3A_464 = arith.constant 40 : i32
      %mul3A_465 = arith.muli %scan3A_206, %mul3A_464 : i32
      %add3A_466 = arith.constant 29 : i32
      %add3A_467 = arith.addi %mul3A_465, %add3A_466 : i32
      %get3A_468 = arith.index_cast %add3A_467 : i32 to index
      %get3A_469 = arith.constant 0 : index
      %get3A_470 = tpu.vector_load %arg6[%get3A_468, %get3A_469] {strides = array<i32>} : memref<1280x16xf32, #tpu.memory_space<vmem>>, vector<1x16xf32>,
      %get3A_471 = vector.shape_cast %get3A_470 : vector<1x16xf32> to vector<16xf32>
      %add3A_472 = arith.addf %add3A_463, %get3A_471 : vector<16xf32>
      %mul3A_473 = arith.constant 40 : i32
      %mul3A_474 = arith.muli %scan3A_206, %mul3A_473 : i32
      %add3A_475 = arith.constant 30 : i32
      %add3A_476 = arith.addi %mul3A_474, %add3A_475 : i32
      %get3A_477 = arith.index_cast %add3A_476 : i32 to index
      %get3A_478 = arith.constant 0 : index
      %get3A_479 = tpu.vector_load %arg6[%get3A_477, %get3A_478] {strides = array<i32>} : memref<1280x16xf32, #tpu.memory_space<vmem>>, vector<1x16xf32>,
      %get3A_480 = vector.shape_cast %get3A_479 : vector<1x16xf32> to vector<16xf32>
      %add3A_481 = arith.addf %add3A_472, %get3A_480 : vector<16xf32>
      %mul3A_482 = arith.constant 40 : i32
      %mul3A_483 = arith.muli %scan3A_206, %mul3A_482 : i32
      %add3A_484 = arith.constant 31 : i32
      %add3A_485 = arith.addi %mul3A_483, %add3A_484 : i32
      %get3A_486 = arith.index_cast %add3A_485 : i32 to index
      %get3A_487 = arith.constant 0 : index
      %get3A_488 = tpu.vector_load %arg6[%get3A_486, %get3A_487] {strides = array<i32>} : memref<1280x16xf32, #tpu.memory_space<vmem>>, vector<1x16xf32>,
      %get3A_489 = vector.shape_cast %get3A_488 : vector<1x16xf32> to vector<16xf32>
      %add3A_490 = arith.addf %add3A_481, %get3A_489 : vector<16xf32>
      %mul3A_491 = arith.constant 40 : i32
      %mul3A_492 = arith.muli %scan3A_206, %mul3A_491 : i32
      %add3A_493 = arith.constant 32 : i32
      %add3A_494 = arith.addi %mul3A_492, %add3A_493 : i32
      %get3A_495 = arith.index_cast %add3A_494 : i32 to index
      %get3A_496 = arith.constant 0 : index
      %get3A_497 = tpu.vector_load %arg6[%get3A_495, %get3A_496] {strides = array<i32>} : memref<1280x16xf32, #tpu.memory_space<vmem>>, vector<1x16xf32>,
      %get3A_498 = vector.shape_cast %get3A_497 : vector<1x16xf32> to vector<16xf32>
      %add3A_499 = arith.addf %add3A_490, %get3A_498 : vector<16xf32>
      %mul3A_500 = arith.constant 40 : i32
      %mul3A_501 = arith.muli %scan3A_206, %mul3A_500 : i32
      %add3A_502 = arith.constant 33 : i32
      %add3A_503 = arith.addi %mul3A_501, %add3A_502 : i32
      %get3A_504 = arith.index_cast %add3A_503 : i32 to index
      %get3A_505 = arith.constant 0 : index
      %get3A_506 = tpu.vector_load %arg6[%get3A_504, %get3A_505] {strides = array<i32>} : memref<1280x16xf32, #tpu.memory_space<vmem>>, vector<1x16xf32>,
      %get3A_507 = vector.shape_cast %get3A_506 : vector<1x16xf32> to vector<16xf32>
      %add3A_508 = arith.addf %add3A_499, %get3A_507 : vector<16xf32>
      %mul3A_509 = arith.constant 40 : i32
      %mul3A_510 = arith.muli %scan3A_206, %mul3A_509 : i32
      %add3A_511 = arith.constant 34 : i32
      %add3A_512 = arith.addi %mul3A_510, %add3A_511 : i32
      %get3A_513 = arith.index_cast %add3A_512 : i32 to index
      %get3A_514 = arith.constant 0 : index
      %get3A_515 = tpu.vector_load %arg6[%get3A_513, %get3A_514] {strides = array<i32>} : memref<1280x16xf32, #tpu.memory_space<vmem>>, vector<1x16xf32>,
      %get3A_516 = vector.shape_cast %get3A_515 : vector<1x16xf32> to vector<16xf32>
      %add3A_517 = arith.addf %add3A_508, %get3A_516 : vector<16xf32>
      %mul3A_518 = arith.constant 40 : i32
      %mul3A_519 = arith.muli %scan3A_206, %mul3A_518 : i32
      %add3A_520 = arith.constant 35 : i32
      %add3A_521 = arith.addi %mul3A_519, %add3A_520 : i32
      %get3A_522 = arith.index_cast %add3A_521 : i32 to index
      %get3A_523 = arith.constant 0 : index
      %get3A_524 = tpu.vector_load %arg6[%get3A_522, %get3A_523] {strides = array<i32>} : memref<1280x16xf32, #tpu.memory_space<vmem>>, vector<1x16xf32>,
      %get3A_525 = vector.shape_cast %get3A_524 : vector<1x16xf32> to vector<16xf32>
      %add3A_526 = arith.addf %add3A_517, %get3A_525 : vector<16xf32>
      %mul3A_527 = arith.constant 40 : i32
      %mul3A_528 = arith.muli %scan3A_206, %mul3A_527 : i32
      %add3A_529 = arith.constant 36 : i32
      %add3A_530 = arith.addi %mul3A_528, %add3A_529 : i32
      %get3A_531 = arith.index_cast %add3A_530 : i32 to index
      %get3A_532 = arith.constant 0 : index
      %get3A_533 = tpu.vector_load %arg6[%get3A_531, %get3A_532] {strides = array<i32>} : memref<1280x16xf32, #tpu.memory_space<vmem>>, vector<1x16xf32>,
      %get3A_534 = vector.shape_cast %get3A_533 : vector<1x16xf32> to vector<16xf32>
      %add3A_535 = arith.addf %add3A_526, %get3A_534 : vector<16xf32>
      %mul3A_536 = arith.constant 40 : i32
      %mul3A_537 = arith.muli %scan3A_206, %mul3A_536 : i32
      %add3A_538 = arith.constant 37 : i32
      %add3A_539 = arith.addi %mul3A_537, %add3A_538 : i32
      %get3A_540 = arith.index_cast %add3A_539 : i32 to index
      %get3A_541 = arith.constant 0 : index
      %get3A_542 = tpu.vector_load %arg6[%get3A_540, %get3A_541] {strides = array<i32>} : memref<1280x16xf32, #tpu.memory_space<vmem>>, vector<1x16xf32>,
      %get3A_543 = vector.shape_cast %get3A_542 : vector<1x16xf32> to vector<16xf32>
      %add3A_544 = arith.addf %add3A_535, %get3A_543 : vector<16xf32>
      %mul3A_545 = arith.constant 40 : i32
      %mul3A_546 = arith.muli %scan3A_206, %mul3A_545 : i32
      %add3A_547 = arith.constant 38 : i32
      %add3A_548 = arith.addi %mul3A_546, %add3A_547 : i32
      %get3A_549 = arith.index_cast %add3A_548 : i32 to index
      %get3A_550 = arith.constant 0 : index
      %get3A_551 = tpu.vector_load %arg6[%get3A_549, %get3A_550] {strides = array<i32>} : memref<1280x16xf32, #tpu.memory_space<vmem>>, vector<1x16xf32>,
      %get3A_552 = vector.shape_cast %get3A_551 : vector<1x16xf32> to vector<16xf32>
      %add3A_553 = arith.addf %add3A_544, %get3A_552 : vector<16xf32>
      %mul3A_554 = arith.constant 40 : i32
      %mul3A_555 = arith.muli %scan3A_206, %mul3A_554 : i32
      %add3A_556 = arith.constant 39 : i32
      %add3A_557 = arith.addi %mul3A_555, %add3A_556 : i32
      %get3A_558 = arith.index_cast %add3A_557 : i32 to index
      %get3A_559 = arith.constant 0 : index
      %get3A_560 = tpu.vector_load %arg6[%get3A_558, %get3A_559] {strides = array<i32>} : memref<1280x16xf32, #tpu.memory_space<vmem>>, vector<1x16xf32>,
      %get3A_561 = vector.shape_cast %get3A_560 : vector<1x16xf32> to vector<16xf32>
      %add3A_562 = arith.addf %add3A_553, %get3A_561 : vector<16xf32>
      %swap3A = arith.index_cast %scan3A_206 : i32 to index
      %swap3A_563 = arith.constant 0 : index
      %swap3A_564 = tpu.vector_load %arg7[%swap3A, %swap3A_563] {strides = array<i32>} : memref<32x16xf32, #tpu.memory_space<vmem>>, vector<1x16xf32>,
      %swap3A_565 = vector.shape_cast %swap3A_564 : vector<1x16xf32> to vector<16xf32>
      %swap3A_566 = vector.shape_cast %add3A_562 : vector<16xf32> to vector<1x16xf32>
      tpu.vector_store %arg7[%swap3A, %swap3A_563], %swap3A_566 {strides = array<i32>} : memref<32x16xf32, #tpu.memory_space<vmem>>, vector<1x16xf32>,
    }
    %scan3A_205 = arith.constant 32 : i32
    "tpu.region"() ({
      %run_scoped3A = tpu.sem_alloc : memref<!tpu.dma_semaphore, #tpu.memory_space<semaphore_mem>>
      %dma_start3A_206 = arith.constant 0 : i32
      %dma_start3A_207 = tpu.memref_slice %arg4[%mul3A_2, %dma_start3A_206] : memref<1024x16xf32, #tpu.memory_space<hbm>> -> memref<32x16xf32, #tpu.memory_space<hbm>>
      %dma_start3A_208 = arith.constant 0 : i32
      %dma_start3A_209 = tpu.memref_slice %arg4[%mul3A_2, %dma_start3A_208] : memref<1024x16xf32, #tpu.memory_space<hbm>> -> memref<32x16xf32, #tpu.memory_space<hbm>>
      tpu.enqueue_dma source(%arg7 : memref<32x16xf32, #tpu.memory_space<vmem>>) target(%dma_start3A_209 : memref<32x16xf32, #tpu.memory_space<hbm>>) target_semaphore(%run_scoped3A : memref<!tpu.dma_semaphore, #tpu.memory_space<semaphore_mem>>)
      %dma_wait3A_210 = arith.constant 0 : i32
      %dma_wait3A_211 = tpu.memref_slice %arg4[%mul3A_2, %dma_wait3A_210] : memref<1024x16xf32, #tpu.memory_space<hbm>> -> memref<32x16xf32, #tpu.memory_space<hbm>>
      %dma_wait3A_212 = arith.constant 0 : i32
      %dma_wait3A_213 = tpu.memref_slice %arg4[%mul3A_2, %dma_wait3A_212] : memref<1024x16xf32, #tpu.memory_space<hbm>> -> memref<32x16xf32, #tpu.memory_space<hbm>>
      tpu.wait_dma2 semaphore(%run_scoped3A : memref<!tpu.dma_semaphore, #tpu.memory_space<semaphore_mem>>) src(%arg7 : memref<32x16xf32, #tpu.memory_space<vmem>>) dst(%dma_wait3A_213 : memref<32x16xf32, #tpu.memory_space<hbm>>)
      tpu.yield
    }) : () -> ()
    return
  }
}

#map = affine_map<(d0, d1) -> (0)>
#map1 = affine_map<(d0, d1) -> (0, 0)>
module attributes {stable_mosaic.version = 14 : i64} {
  func.func @sc_b(%arg0: i32, %arg1: i32, %arg2: memref<1024xi32, #tpu.memory_space<hbm>>, %arg3: memref<1000000x16xf32, #tpu.memory_space<hbm>>, %arg4: memref<1000000xf32, #tpu.memory_space<hbm>>, %arg5: memref<1024x16xf32, #tpu.memory_space<hbm>>, %arg6: memref<1024xf32, #tpu.memory_space<hbm>>, %arg7: memref<32xi32, #tpu.memory_space<vmem>>, %arg8: memref<32x16xf32, #tpu.memory_space<vmem>>, %arg9: memref<32xf32, #tpu.memory_space<vmem>>, %arg10: memref<!tpu.dma_semaphore, #tpu.memory_space<semaphore_mem>>, %arg11: memref<!tpu.dma_semaphore, #tpu.memory_space<semaphore_mem>>) attributes {dimension_semantics = [#tpu.dimension_semantics<core_parallel>, #tpu.dimension_semantics<subcore_parallel>], iteration_bounds = array<i64: 2, 16>, scalar_prefetch = 0 : i64, scratch_operands = 5 : i64, tpu.core_type = #tpu.core_type<sc_vector_subcore>, window_params = [{transform_indices = #map}, {transform_indices = #map1}, {transform_indices = #map}, {transform_indices = #map1}, {transform_indices = #map}]} {
    %mul3A = arith.constant 2 : i32
    %mul3A_0 = arith.muli %arg1, %mul3A : i32
    %add3A = arith.addi %mul3A_0, %arg0 : i32
    %mul3A_1 = arith.constant 32 : i32
    %mul3A_2 = arith.muli %add3A, %mul3A_1 : i32
    "tpu.region"() ({
      %run_scoped3A = tpu.sem_alloc : memref<!tpu.dma_semaphore, #tpu.memory_space<semaphore_mem>>
      %dma_start3A_11 = tpu.memref_slice %arg2[%mul3A_2] : memref<1024xi32, #tpu.memory_space<hbm>> -> memref<32xi32, #tpu.memory_space<hbm>>
      %dma_start3A_12 = tpu.memref_slice %arg2[%mul3A_2] : memref<1024xi32, #tpu.memory_space<hbm>> -> memref<32xi32, #tpu.memory_space<hbm>>
      tpu.enqueue_dma source(%dma_start3A_12 : memref<32xi32, #tpu.memory_space<hbm>>) target(%arg7 : memref<32xi32, #tpu.memory_space<vmem>>) target_semaphore(%run_scoped3A : memref<!tpu.dma_semaphore, #tpu.memory_space<semaphore_mem>>)
      %dma_wait3A_13 = tpu.memref_slice %arg2[%mul3A_2] : memref<1024xi32, #tpu.memory_space<hbm>> -> memref<32xi32, #tpu.memory_space<hbm>>
      %dma_wait3A_14 = tpu.memref_slice %arg2[%mul3A_2] : memref<1024xi32, #tpu.memory_space<hbm>> -> memref<32xi32, #tpu.memory_space<hbm>>
      tpu.wait_dma2 semaphore(%run_scoped3A : memref<!tpu.dma_semaphore, #tpu.memory_space<semaphore_mem>>) src(%dma_wait3A_14 : memref<32xi32, #tpu.memory_space<hbm>>) dst(%arg7 : memref<32xi32, #tpu.memory_space<vmem>>)
      tpu.yield
    }) : () -> ()
    %dma_start3A = arith.constant 0 : i32
    %dma_start3A_3 = arith.constant 0 : i32
    %dma_start3A_4 = tpu.memref_slice %arg3[%dma_start3A, %dma_start3A_3] : memref<1000000x16xf32, #tpu.memory_space<hbm>> -> memref<1000000x16xf32, #tpu.memory_space<hbm>>
    tpu.enqueue_indirect_dma source(%dma_start3A_4 : memref<1000000x16xf32, #tpu.memory_space<hbm>>) target(%arg8 : memref<32x16xf32, #tpu.memory_space<vmem>>) offsets(%arg7 : memref<32xi32, #tpu.memory_space<vmem>>) semaphore(%arg10 : memref<!tpu.dma_semaphore, #tpu.memory_space<semaphore_mem>>)
    %dma_start3A_5 = arith.constant 0 : i32
    %dma_start3A_6 = tpu.memref_slice %arg4[%dma_start3A_5] : memref<1000000xf32, #tpu.memory_space<hbm>> -> memref<1000000xf32, #tpu.memory_space<hbm>>
    tpu.enqueue_indirect_dma source(%dma_start3A_6 : memref<1000000xf32, #tpu.memory_space<hbm>>) target(%arg9 : memref<32xf32, #tpu.memory_space<vmem>>) offsets(%arg7 : memref<32xi32, #tpu.memory_space<vmem>>) semaphore(%arg11 : memref<!tpu.dma_semaphore, #tpu.memory_space<semaphore_mem>>)
    %dma_wait3A = arith.constant 0 : i32
    %dma_wait3A_7 = arith.constant 0 : i32
    %dma_wait3A_8 = tpu.memref_slice %arg3[%dma_wait3A, %dma_wait3A_7] : memref<1000000x16xf32, #tpu.memory_space<hbm>> -> memref<1000000x16xf32, #tpu.memory_space<hbm>>
    tpu.wait_indirect_dma semaphore(%arg10 : memref<!tpu.dma_semaphore, #tpu.memory_space<semaphore_mem>>) src(%dma_wait3A_8 : memref<1000000x16xf32, #tpu.memory_space<hbm>>) dst(%arg8 : memref<32x16xf32, #tpu.memory_space<vmem>>)
    "tpu.region"() ({
      %run_scoped3A = tpu.sem_alloc : memref<!tpu.dma_semaphore, #tpu.memory_space<semaphore_mem>>
      %dma_start3A_11 = arith.constant 0 : i32
      %dma_start3A_12 = tpu.memref_slice %arg5[%mul3A_2, %dma_start3A_11] : memref<1024x16xf32, #tpu.memory_space<hbm>> -> memref<32x16xf32, #tpu.memory_space<hbm>>
      %dma_start3A_13 = arith.constant 0 : i32
      %dma_start3A_14 = tpu.memref_slice %arg5[%mul3A_2, %dma_start3A_13] : memref<1024x16xf32, #tpu.memory_space<hbm>> -> memref<32x16xf32, #tpu.memory_space<hbm>>
      tpu.enqueue_dma source(%arg8 : memref<32x16xf32, #tpu.memory_space<vmem>>) target(%dma_start3A_14 : memref<32x16xf32, #tpu.memory_space<hbm>>) target_semaphore(%run_scoped3A : memref<!tpu.dma_semaphore, #tpu.memory_space<semaphore_mem>>)
      %dma_wait3A_15 = arith.constant 0 : i32
      %dma_wait3A_16 = tpu.memref_slice %arg5[%mul3A_2, %dma_wait3A_15] : memref<1024x16xf32, #tpu.memory_space<hbm>> -> memref<32x16xf32, #tpu.memory_space<hbm>>
      %dma_wait3A_17 = arith.constant 0 : i32
      %dma_wait3A_18 = tpu.memref_slice %arg5[%mul3A_2, %dma_wait3A_17] : memref<1024x16xf32, #tpu.memory_space<hbm>> -> memref<32x16xf32, #tpu.memory_space<hbm>>
      tpu.wait_dma2 semaphore(%run_scoped3A : memref<!tpu.dma_semaphore, #tpu.memory_space<semaphore_mem>>) src(%arg8 : memref<32x16xf32, #tpu.memory_space<vmem>>) dst(%dma_wait3A_18 : memref<32x16xf32, #tpu.memory_space<hbm>>)
      tpu.yield
    }) : () -> ()
    %dma_wait3A_9 = arith.constant 0 : i32
    %dma_wait3A_10 = tpu.memref_slice %arg4[%dma_wait3A_9] : memref<1000000xf32, #tpu.memory_space<hbm>> -> memref<1000000xf32, #tpu.memory_space<hbm>>
    tpu.wait_indirect_dma semaphore(%arg11 : memref<!tpu.dma_semaphore, #tpu.memory_space<semaphore_mem>>) src(%dma_wait3A_10 : memref<1000000xf32, #tpu.memory_space<hbm>>) dst(%arg9 : memref<32xf32, #tpu.memory_space<vmem>>)
    "tpu.region"() ({
      %run_scoped3A = tpu.sem_alloc : memref<!tpu.dma_semaphore, #tpu.memory_space<semaphore_mem>>
      %dma_start3A_11 = tpu.memref_slice %arg6[%mul3A_2] : memref<1024xf32, #tpu.memory_space<hbm>> -> memref<32xf32, #tpu.memory_space<hbm>>
      %dma_start3A_12 = tpu.memref_slice %arg6[%mul3A_2] : memref<1024xf32, #tpu.memory_space<hbm>> -> memref<32xf32, #tpu.memory_space<hbm>>
      tpu.enqueue_dma source(%arg9 : memref<32xf32, #tpu.memory_space<vmem>>) target(%dma_start3A_12 : memref<32xf32, #tpu.memory_space<hbm>>) target_semaphore(%run_scoped3A : memref<!tpu.dma_semaphore, #tpu.memory_space<semaphore_mem>>)
      %dma_wait3A_13 = tpu.memref_slice %arg6[%mul3A_2] : memref<1024xf32, #tpu.memory_space<hbm>> -> memref<32xf32, #tpu.memory_space<hbm>>
      %dma_wait3A_14 = tpu.memref_slice %arg6[%mul3A_2] : memref<1024xf32, #tpu.memory_space<hbm>> -> memref<32xf32, #tpu.memory_space<hbm>>
      tpu.wait_dma2 semaphore(%run_scoped3A : memref<!tpu.dma_semaphore, #tpu.memory_space<semaphore_mem>>) src(%arg9 : memref<32xf32, #tpu.memory_space<vmem>>) dst(%dma_wait3A_14 : memref<32xf32, #tpu.memory_space<hbm>>)
      tpu.yield
    }) : () -> ()
    return
  }
}

module attributes {stable_mosaic.version = 14 : i64} {
  func.func @_tc_body(%arg0: i32, %arg1: memref<17x1024xf32, #tpu.memory_space<vmem>>, %arg2: memref<16x8192xf32, #tpu.memory_space<vmem>>, %arg3: memref<1x8192xf32, #tpu.memory_space<vmem>>, %arg4: memref<1x1024xf32, #tpu.memory_space<vmem>>, %arg5: memref<1x1024xi32, #tpu.memory_space<vmem>>, %arg6: memref<1x1024xf32, #tpu.memory_space<vmem>>, %arg7: memref<1x1024xf32, #tpu.memory_space<vmem>>, %arg8: memref<1x1024xi32, #tpu.memory_space<vmem>>, %arg9: memref<8192x1xf32, #tpu.memory_space<vmem>>) attributes {dimension_semantics = [#tpu.dimension_semantics<arbitrary>], iteration_bounds = array<i64: 123>, scalar_prefetch = 0 : i64, scratch_operands = 4 : i64, tpu.core_type = #tpu.core_type<tc>, window_params = [{pipeline_mode = #tpu.pipeline_mode<synchronous>, transform_indices = @transform_0, window_bounds = array<i64: 17, 1024>}, {transform_indices = @transform_1, window_bounds = array<i64: 16, 8192>}, {transform_indices = @transform_2, window_bounds = array<i64: 1, 8192>}, {pipeline_mode = #tpu.pipeline_mode<synchronous>, transform_indices = @transform_3, window_bounds = array<i64: 1, 1024>}, {pipeline_mode = #tpu.pipeline_mode<synchronous>, transform_indices = @transform_4, window_bounds = array<i64: 1, 1024>}]} {
    %eq3A = arith.constant 0 : i32
    %eq3A_0 = arith.cmpi eq, %arg0, %eq3A : i32
    %convert_element_type3A = arith.extui %eq3A_0 : i1 to i32
    %cond3A = arith.constant 0 : i32
    %cond3A_1 = arith.cmpi ne, %convert_element_type3A, %cond3A : i32
    scf.if %cond3A_1 {
      %broadcast_in_dim3A_56 = arith.constant 0xFF800000 : f32
      %broadcast_in_dim3A_57 = vector.broadcast %broadcast_in_dim3A_56 : f32 to vector<1x1024xf32>
      %swap3A_58 = arith.constant 0 : index
      %swap3A_59 = arith.constant 0 : index
      %swap3A_60 = vector.load %arg6[%swap3A_58, %swap3A_59] : memref<1x1024xf32, #tpu.memory_space<vmem>>, vector<1x1024xf32>
      tpu.vector_store %arg6[%swap3A_58, %swap3A_59], %broadcast_in_dim3A_57 {strides = array<i32>} : memref<1x1024xf32, #tpu.memory_space<vmem>>, vector<1x1024xf32>,
      %broadcast_in_dim3A_61 = arith.constant 0.000000e+00 : f32
      %broadcast_in_dim3A_62 = vector.broadcast %broadcast_in_dim3A_61 : f32 to vector<1x1024xf32>
      %swap3A_63 = arith.constant 0 : index
      %swap3A_64 = arith.constant 0 : index
      %swap3A_65 = vector.load %arg7[%swap3A_63, %swap3A_64] : memref<1x1024xf32, #tpu.memory_space<vmem>>, vector<1x1024xf32>
      tpu.vector_store %arg7[%swap3A_63, %swap3A_64], %broadcast_in_dim3A_62 {strides = array<i32>} : memref<1x1024xf32, #tpu.memory_space<vmem>>, vector<1x1024xf32>,
      %broadcast_in_dim3A_66 = arith.constant 0 : i32
      %broadcast_in_dim3A_67 = vector.broadcast %broadcast_in_dim3A_66 : i32 to vector<1x1024xi32>
      %swap3A_68 = arith.constant 0 : index
      %swap3A_69 = arith.constant 0 : index
      %swap3A_70 = vector.load %arg8[%swap3A_68, %swap3A_69] : memref<1x1024xi32, #tpu.memory_space<vmem>>, vector<1x1024xi32>
      tpu.vector_store %arg8[%swap3A_68, %swap3A_69], %broadcast_in_dim3A_67 {strides = array<i32>} : memref<1x1024xi32, #tpu.memory_space<vmem>>, vector<1x1024xi32>,
      %iota3A = tpu.iota {dimensions = array<i32: 0>} : vector<8192x1xi32>
      %convert_element_type3A_71 = arith.sitofp %iota3A : vector<8192x1xi32> to vector<8192x1xf32>
      %swap3A_72 = arith.constant 0 : index
      %swap3A_73 = arith.constant 0 : index
      %swap3A_74 = vector.load %arg9[%swap3A_72, %swap3A_73] : memref<8192x1xf32, #tpu.memory_space<vmem>>, vector<8192x1xf32>
      tpu.vector_store %arg9[%swap3A_72, %swap3A_73], %convert_element_type3A_71 {strides = array<i32>} : memref<8192x1xf32, #tpu.memory_space<vmem>>, vector<8192x1xf32>,
    } else {
    }
    %eq3A_2 = arith.constant 122 : i32
    %eq3A_3 = arith.cmpi eq, %arg0, %eq3A_2 : i32
    %convert_element_type3A_4 = arith.extui %eq3A_3 : i1 to i32
    %cond3A_5 = arith.constant 0 : i32
    %cond3A_6 = arith.cmpi ne, %convert_element_type3A_4, %cond3A_5 : i32
    scf.if %cond3A_6 {
      %broadcast_in_dim3A_56 = arith.constant 0.000000e+00 : f32
      %broadcast_in_dim3A_57 = vector.broadcast %broadcast_in_dim3A_56 : f32 to vector<16x7616xf32>
      %swap3A_58 = arith.constant 0 : index
      %swap3A_59 = arith.constant 576 : index
      %swap3A_60 = vector.load %arg2[%swap3A_58, %swap3A_59] : memref<16x8192xf32, #tpu.memory_space<vmem>>, vector<16x7616xf32>
      tpu.vector_store %arg2[%swap3A_58, %swap3A_59], %broadcast_in_dim3A_57 {strides = array<i32>} : memref<16x8192xf32, #tpu.memory_space<vmem>>, vector<16x7616xf32>,
    } else {
    }
    %get3A = arith.constant 0 : index
    %get3A_7 = arith.constant 0 : index
    %get3A_8 = vector.load %arg2[%get3A, %get3A_7] : memref<16x8192xf32, #tpu.memory_space<vmem>>, vector<16x8192xf32>
    %get3A_9 = arith.constant 0 : index
    %get3A_10 = arith.constant 0 : index
    %get3A_11 = vector.load %arg3[%get3A_9, %get3A_10] : memref<1x8192xf32, #tpu.memory_space<vmem>>, vector<1x8192xf32>
    %concatenate3A = tpu.concatenate %get3A_8, %get3A_11 in 0 : vector<16x8192xf32>, vector<1x8192xf32> -> vector<17x8192xf32>
    %get3A_12 = arith.constant 0 : index
    %get3A_13 = arith.constant 0 : index
    %get3A_14 = vector.load %arg1[%get3A_12, %get3A_13] : memref<17x1024xf32, #tpu.memory_space<vmem>>, vector<17x1024xf32>
    %dot_general3A = arith.constant dense<0.000000e+00> : vector<8192x1024xf32>
    %dot_general3A_15 = tpu.matmul %concatenate3A, %get3A_14, %dot_general3A {dimension_numbers = #tpu.dot_dimension_numbers<[0], [0], [1], [1], [0, 1, 1, 1], [], []>, transpose_lhs_hint = false} : vector<17x8192xf32>, vector<17x1024xf32>, vector<8192x1024xf32> -> vector<8192x1024xf32>
    %reduce_max3A = arith.constant dense<0xFF800000> : vector<1024xf32>
    %reduce_max3A_16 = vector.multi_reduction <maximumf>, %dot_general3A_15, %reduce_max3A [0] : vector<8192x1024xf32> to vector<1024xf32>
    %broadcast_in_dim3A = vector.shape_cast %reduce_max3A_16 : vector<1024xf32> to vector<1x1024xf32>
    %get3A_17 = arith.constant 0 : index
    %get3A_18 = arith.constant 0 : index
    %get3A_19 = vector.load %arg6[%get3A_17, %get3A_18] : memref<1x1024xf32, #tpu.memory_space<vmem>>, vector<1x1024xf32>
    %get3A_20 = arith.constant 0 : index
    %get3A_21 = arith.constant 0 : index
    %get3A_22 = vector.load %arg7[%get3A_20, %get3A_21] : memref<1x1024xf32, #tpu.memory_space<vmem>>, vector<1x1024xf32>
    %exp3A = math.exp %dot_general3A_15 : vector<8192x1024xf32>
    %reduce_sum3A = arith.constant dense<0.000000e+00> : vector<1024xf32>
    %reduce_sum3A_23 = vector.multi_reduction <add>, %exp3A, %reduce_sum3A [0] : vector<8192x1024xf32> to vector<1024xf32>
    %broadcast_in_dim3A_24 = vector.shape_cast %reduce_sum3A_23 : vector<1024xf32> to vector<1x1024xf32>
    %add3A = arith.addf %get3A_22, %broadcast_in_dim3A_24 : vector<1x1024xf32>
    %swap3A = arith.constant 0 : index
    %swap3A_25 = arith.constant 0 : index
    %swap3A_26 = vector.load %arg7[%swap3A, %swap3A_25] : memref<1x1024xf32, #tpu.memory_space<vmem>>, vector<1x1024xf32>
    tpu.vector_store %arg7[%swap3A, %swap3A_25], %add3A {strides = array<i32>} : memref<1x1024xf32, #tpu.memory_space<vmem>>, vector<1x1024xf32>,
    %max3A = arith.maximumf %get3A_19, %broadcast_in_dim3A : vector<1x1024xf32>
    %swap3A_27 = arith.constant 0 : index
    %swap3A_28 = arith.constant 0 : index
    %swap3A_29 = vector.load %arg6[%swap3A_27, %swap3A_28] : memref<1x1024xf32, #tpu.memory_space<vmem>>, vector<1x1024xf32>
    tpu.vector_store %arg6[%swap3A_27, %swap3A_28], %max3A {strides = array<i32>} : memref<1x1024xf32, #tpu.memory_space<vmem>>, vector<1x1024xf32>,
    %eq3A_30 = vector.broadcast %broadcast_in_dim3A : vector<1x1024xf32> to vector<8192x1024xf32>
    %eq3A_31 = arith.cmpf oeq, %dot_general3A_15, %eq3A_30 : vector<8192x1024xf32>
    %get3A_32 = arith.constant 0 : index
    %get3A_33 = arith.constant 0 : index
    %get3A_34 = vector.load %arg9[%get3A_32, %get3A_33] : memref<8192x1xf32, #tpu.memory_space<vmem>>, vector<8192x1xf32>
    %jit3A = arith.constant 1.07374182E+9 : f32
    %broadcast_in_dim3A_35 = vector.shape_cast %get3A_34 : vector<8192x1xf32> to vector<8192x1xf32>
    %broadcast_in_dim3A_36 = vector.broadcast %broadcast_in_dim3A_35 : vector<8192x1xf32> to vector<8192x1024xf32>
    %broadcast_in_dim3A_37 = vector.broadcast %jit3A : f32 to vector<8192x1024xf32>
    %select_n3A = arith.select %eq3A_31, %broadcast_in_dim3A_36, %broadcast_in_dim3A_37 : vector<8192x1024xi1>, vector<8192x1024xf32>
    %reduce_min3A = arith.constant dense<0x7F800000> : vector<1024xf32>
    %reduce_min3A_38 = vector.multi_reduction <minimumf>, %select_n3A, %reduce_min3A [0] : vector<8192x1024xf32> to vector<1024xf32>
    %broadcast_in_dim3A_39 = vector.shape_cast %reduce_min3A_38 : vector<1024xf32> to vector<1x1024xf32>
    %convert_element_type3A_40 = arith.fptosi %broadcast_in_dim3A_39 : vector<1x1024xf32> to vector<1x1024xi32>
    %mul3A = arith.constant 8192 : i32
    %mul3A_41 = arith.muli %arg0, %mul3A : i32
    %add3A_42 = vector.broadcast %mul3A_41 : i32 to vector<1x1024xi32>
    %add3A_43 = arith.addi %convert_element_type3A_40, %add3A_42 : vector<1x1024xi32>
    %gt3A = arith.cmpf ogt, %broadcast_in_dim3A, %get3A_19 : vector<1x1024xf32>
    %get3A_44 = arith.constant 0 : index
    %get3A_45 = arith.constant 0 : index
    %get3A_46 = vector.load %arg8[%get3A_44, %get3A_45] : memref<1x1024xi32, #tpu.memory_space<vmem>>, vector<1x1024xi32>
    %select_n3A_47 = arith.select %gt3A, %add3A_43, %get3A_46 : vector<1x1024xi1>, vector<1x1024xi32>
    %swap3A_48 = arith.constant 0 : index
    %swap3A_49 = arith.constant 0 : index
    %swap3A_50 = vector.load %arg8[%swap3A_48, %swap3A_49] : memref<1x1024xi32, #tpu.memory_space<vmem>>, vector<1x1024xi32>
    tpu.vector_store %arg8[%swap3A_48, %swap3A_49], %select_n3A_47 {strides = array<i32>} : memref<1x1024xi32, #tpu.memory_space<vmem>>, vector<1x1024xi32>,
    %eq3A_51 = arith.constant 122 : i32
    %eq3A_52 = arith.cmpi eq, %arg0, %eq3A_51 : i32
    %convert_element_type3A_53 = arith.extui %eq3A_52 : i1 to i32
    %cond3A_54 = arith.constant 0 : i32
    %cond3A_55 = arith.cmpi ne, %convert_element_type3A_53, %cond3A_54 : i32
    scf.if %cond3A_55 {
      %get3A_56 = arith.constant 0 : index
      %get3A_57 = arith.constant 0 : index
      %get3A_58 = vector.load %arg7[%get3A_56, %get3A_57] : memref<1x1024xf32, #tpu.memory_space<vmem>>, vector<1x1024xf32>
      %log3A = math.log %get3A_58 : vector<1x1024xf32>
      %swap3A_59 = arith.constant 0 : index
      %swap3A_60 = arith.constant 0 : index
      %swap3A_61 = vector.load %arg4[%swap3A_59, %swap3A_60] : memref<1x1024xf32, #tpu.memory_space<vmem>>, vector<1x1024xf32>
      tpu.vector_store %arg4[%swap3A_59, %swap3A_60], %log3A {strides = array<i32>} : memref<1x1024xf32, #tpu.memory_space<vmem>>, vector<1x1024xf32>,
      %get3A_62 = arith.constant 0 : index
      %get3A_63 = arith.constant 0 : index
      %get3A_64 = vector.load %arg8[%get3A_62, %get3A_63] : memref<1x1024xi32, #tpu.memory_space<vmem>>, vector<1x1024xi32>
      %swap3A_65 = arith.constant 0 : index
      %swap3A_66 = arith.constant 0 : index
      %swap3A_67 = vector.load %arg5[%swap3A_65, %swap3A_66] : memref<1x1024xi32, #tpu.memory_space<vmem>>, vector<1x1024xi32>
      tpu.vector_store %arg5[%swap3A_65, %swap3A_66], %get3A_64 {strides = array<i32>} : memref<1x1024xi32, #tpu.memory_space<vmem>>, vector<1x1024xi32>,
    } else {
    }
    return
  }
  func.func @transform_0(%arg0: i32) -> (i32, i32) {
    %c0_i32 = arith.constant 0 : i32
    %c0_i32_0 = arith.constant 0 : i32
    %c0_i32_1 = arith.constant 0 : i32
    return %c0_i32, %c0_i32_0 : i32, i32
  }
  func.func @transform_1(%arg0: i32) -> (i32, i32) {
    %c0_i32 = arith.constant 0 : i32
    %c0_i32_0 = arith.constant 0 : i32
    return %c0_i32, %arg0 : i32, i32
  }
  func.func @transform_2(%arg0: i32) -> (i32, i32) {
    %c0_i32 = arith.constant 0 : i32
    %c0_i32_0 = arith.constant 0 : i32
    return %c0_i32, %arg0 : i32, i32
  }
  func.func @transform_3(%arg0: i32) -> (i32, i32) {
    %c0_i32 = arith.constant 0 : i32
    %c0_i32_0 = arith.constant 0 : i32
    %c0_i32_1 = arith.constant 0 : i32
    return %c0_i32, %c0_i32_0 : i32, i32
  }
  func.func @transform_4(%arg0: i32) -> (i32, i32) {
    %c0_i32 = arith.constant 0 : i32
    %c0_i32_0 = arith.constant 0 : i32
    %c0_i32_1 = arith.constant 0 : i32
    return %c0_i32, %c0_i32_0 : i32, i32
  }
}

module attributes {stable_mosaic.version = 14 : i64} {
  func.func @_tc_finish(%arg0: memref<1x1024xf32, #tpu.memory_space<vmem>>, %arg1: memref<17x1024xf32, #tpu.memory_space<vmem>>, %arg2: memref<17x1024xf32, #tpu.memory_space<vmem>>, %arg3: memref<1x1xf32, #tpu.memory_space<vmem>>) attributes {dimension_semantics = [], scalar_prefetch = 0 : i64, scratch_operands = 0 : i64, tpu.core_type = #tpu.core_type<tc>} {
    %get3A = arith.constant 0 : index
    %get3A_0 = arith.constant 0 : index
    %get3A_1 = vector.load %arg1[%get3A, %get3A_0] : memref<17x1024xf32, #tpu.memory_space<vmem>>, vector<17x1024xf32>
    %get3A_2 = arith.constant 0 : index
    %get3A_3 = arith.constant 0 : index
    %get3A_4 = vector.load %arg2[%get3A_2, %get3A_3] : memref<17x1024xf32, #tpu.memory_space<vmem>>, vector<17x1024xf32>
    %mul3A = arith.mulf %get3A_1, %get3A_4 : vector<17x1024xf32>
    %reduce_sum3A = arith.constant dense<0.000000e+00> : vector<1024xf32>
    %reduce_sum3A_5 = vector.multi_reduction <add>, %mul3A, %reduce_sum3A [0] : vector<17x1024xf32> to vector<1024xf32>
    %broadcast_in_dim3A = vector.shape_cast %reduce_sum3A_5 : vector<1024xf32> to vector<1x1024xf32>
    %get3A_6 = arith.constant 0 : index
    %get3A_7 = arith.constant 0 : index
    %get3A_8 = vector.load %arg0[%get3A_6, %get3A_7] : memref<1x1024xf32, #tpu.memory_space<vmem>>, vector<1x1024xf32>
    %sub3A = arith.subf %get3A_8, %broadcast_in_dim3A : vector<1x1024xf32>
    %reduce_sum3A_9 = vector.shape_cast %sub3A : vector<1x1024xf32> to vector<1x1x1024xf32>
    %reduce_sum3A_10 = arith.constant dense<0.000000e+00> : vector<1xf32>
    %reduce_sum3A_11 = vector.multi_reduction <add>, %reduce_sum3A_9, %reduce_sum3A_10 [1, 2] : vector<1x1x1024xf32> to vector<1xf32>
    %reduce_sum3A_12 = vector.shape_cast %reduce_sum3A_11 : vector<1xf32> to vector<1x1x1xf32>
    %reduce_sum3A_13 = vector.extract %reduce_sum3A_12[0, 0, 0] : f32 from vector<1x1x1xf32>
    %div3A = arith.constant 1.024000e+03 : f32
    %div3A_14 = arith.divf %reduce_sum3A_13, %div3A : f32
    %reshape3A = vector.broadcast %div3A_14 : f32 to vector<1x1xf32>
    %swap3A = arith.constant 0 : index
    %swap3A_15 = arith.constant 0 : index
    %swap3A_16 = vector.load %arg3[%swap3A, %swap3A_15] : memref<1x1xf32, #tpu.memory_space<vmem>>, vector<1x1xf32>
    tpu.vector_store %arg3[%swap3A, %swap3A_15], %reshape3A {strides = array<i32>} : memref<1x1xf32, #tpu.memory_space<vmem>>, vector<1x1xf32>,
    return
  }
}

</mosaic_0001>

<sc_bundles>
// kernel: kernel.6.cloned.1.call-start
scs
__scs_entry_jumppad:
0x0: {  	(pc) =	sbr.rel $0x88, $3  }
0x1: {  	(tag) =	ssettag $0x0;
	lr =	simm.s32 $0x1  }
0x2: {  	[smem:$0x3F9C] =	sst lr;
	_ =	strace $0xD0000000  }
0x3: {  	_ = 	snop  }
0x4: {  	_ = 	snop  }
0x5: {  	_ = 	snop  }
0x6: {  	_ = 	snop  }
0x7: {  	_ = 	snop  }
__scs_overlays_trampoline_lowered:
0x8: {  	[smem:$0x3FAB] =	sst s0  }
0x9: {  	[smem:$0x3FAC] =	sst s1  }
0xa: {  	[smem:$0x3FAD] =	sst s2  }
0xb: {  	[smem:$0x3FAE] =	sst s3  }
0xc: {  	[smem:$0x3FAF] =	sst s4  }
0xd: {  	[smem:$0x3FB0] =	sst s5  }
0xe: {  	[smem:$0x3FB1] =	sst s6  }
0xf: {  	[smem:$0x3FB2] =	sst s7  }
0x10: {  	[smem:$0x3FB3] =	sst s8  }
0x11: {  	[smem:$0x3FB4] =	sst s9;
	s0 =	simm.s32 @!p0 $0x0  }
0x12: {  	s1 =	sld [smem:$0x3F9A];
	s0 =	simm.s32 @p0 $0x1  }
0x13: {  	[smem:$0x3FB5] =	sst s0;
	s0 =	simm.s32 @!p1 $0x0  }
0x14: {  	s2 =	sld [smem:$0x3F99];
	s0 =	simm.s32 @p1 $0x1  }
0x15: {  	[smem:$0x3FB6] =	sst s0;
	s0 =	simm.s32 @!p2 $0x0  }
0x16: {  	s3 =	sld [smem:$0x3FDB];
	s0 =	simm.s32 @p2 $0x1  }
0x17: {  	s4 =	simm.s32 $0x1BF5;
	[smem:$0x3FB8] =	sst s0  }
0x18: {  	s0 =	sld [smem:$0x3F9B];
	_ =	swait.ge [sflag:s4], $0x0  }
0x19: {  	s7 =	sld [smem:$0x3F9C]  }
0x1a: {  	s8 =	sadd.s32 $0xFFFFE003, lr  }
0x1b: {  	s9 =	sadd.s32 $0xFFFFFEF7, lr;
	s5 =	simm.s32 $0xFFFFFFFF;
	p2 =	slt.u32 s8, $0xFFFFF086  }
0x1c: {  	p1 =	slt.u32 s9, $0xF7A;
	s5 =	simm.s32 @!p2 $0x0  }
0x1d: {  	s5 =	simm.s32 @p1 $0x1;
	p0 =	seq.s32 s7, s2  }
0x1e: {  	s7 =	smul.u32 @!p0 $0xF7A, s2;
	p2 =	seq.s32 @!p0 s5, $0x0  }
0x1f: {  	s9 =	smul.u32 $0xF7A, s1;
	s8 =	simm.s32 @!p0 $0x1BF5;
	p2 =	por !p2, p0  }
0x20: {  	[sflag:s8] =	ssyncset.s32 @!p0 $0xFFFFF086;
	s6 =	sadd.s32 @!p0 s3, s7;
	s7 =	simm.s32 @!p0 $0x108  }
0x21: {  	s3 =	sadd.s32 s3, s9;
	s6 =	sadd.s32 @!p0 $0x88, s6;
	s7 =	simm.s32 @p2 $0x1082  }
0x22: {  	[simem:s7], [sflag:s8] =	dma.local @!p0 [hbm:s6], $0xF7A  }
0x23: {  	s9 =	sor.u32 $0xD0000000, s2;
	s6 =	simm.s32 $0x108;
	_ =	swait.ge @!p0 [sflag:s8], $0x0  }
0x24: {  	s3 =	sadd.s32 $0x88, s3;
	s6 =	simm.s32 @!p1 $0x1082;
	[sflag:s4] =	ssyncset.s32 $0xFFFFF086  }
0x25: {  	[simem:s6], [sflag:s4] =	dma.local [hbm:s3], $0xF7A  }
0x26: {  	[smem:$0x3F9C] =	sst s1;
	(tag) =	ssettag s2;
	_ =	strace s9  }
0x27: {  	s1 =	sld [smem:$0x3FAC]  }
0x28: {  	s2 =	sld [smem:$0x3FAD]  }
0x29: {  	s4 =	sld [smem:$0x3FAF]  }
0x2a: {  	p0 =	seq.s32 s5, $0x0;
	s5 =	sld [smem:$0x3FB0]  }
0x2b: {  	s6 =	sld [smem:$0x3FB1]  }
0x2c: {  	s7 =	sld [smem:$0x3FB2]  }
0x2d: {  	s3 =	simm.s32 $0x108;
	s8 =	sld [smem:$0x3FB3]  }
0x2e: {  	s3 =	simm.s32 @!p0 $0x1082;
	s9 =	sld [smem:$0x3FB4]  }
0x2f: {  	lr =	sadd.s32 s0, s3;
	s0 =	sld [smem:$0x3FAB]  }
0x30: {  	s3 =	sld [smem:$0x3FAE]  }
0x31: {  	[smem:$0x3FB7] =	sst s10  }
0x32: {  	s10 =	sld [smem:$0x3FB5];
	_ =	sdelay $0x3  }
0x33: {  	p0 =	seq.s32 s10, $0x1;
	s10 =	sld [smem:$0x3FB7];
	_ =	sdelay $0x3  }
0x34: {  	[smem:$0x3FB7] =	sst s10  }
0x35: {  	s10 =	sld [smem:$0x3FB6];
	_ =	sdelay $0x3  }
0x36: {  	p1 =	seq.s32 s10, $0x1;
	s10 =	sld [smem:$0x3FB7];
	_ =	sdelay $0x3  }
0x37: {  	[smem:$0x3FB7] =	sst s10  }
0x38: {  	s10 =	sld [smem:$0x3FB8]  }
0x39: {  	_ = 	snop;
	(pc) =	sbr.ind lr, $3  }
0x3a: {  	_ = 	snop  }
0x3b: {  	_ = 	snop  }
0x3c: {  	p2 =	seq.s32 s10, $0x1;
	s10 =	sld [smem:$0x3FB7]  }
0x3d: {  	_ =	shalt  }
0x3e: {  	_ =	shalt  }
0x3f: {  	_ =	shalt  }
0x40: {  	_ =	shalt  }
0x41: {  	_ =	shalt  }
0x42: {  	_ =	shalt  }
0x43: {  	_ =	shalt  }
0x44: {  	_ =	shalt  }
0x45: {  	_ =	shalt  }
0x46: {  	_ =	shalt  }
0x47: {  	_ =	shalt  }
0x48: {  	_ =	shalt  }
0x49: {  	_ =	shalt  }
0x4a: {  	_ =	shalt  }
0x4b: {  	_ =	shalt  }
0x4c: {  	_ =	shalt  }
0x4d: {  	_ =	shalt  }
0x4e: {  	_ =	shalt  }
0x4f: {  	_ =	shalt  }
0x50: {  	_ =	shalt  }
0x51: {  	_ =	shalt  }
0x52: {  	_ =	shalt  }
0x53: {  	_ =	shalt  }
0x54: {  	_ =	shalt  }
0x55: {  	_ =	shalt  }
0x56: {  	_ =	shalt  }
0x57: {  	_ =	shalt  }
0x58: {  	_ =	shalt  }
0x59: {  	_ =	shalt  }
0x5a: {  	_ =	shalt  }
0x5b: {  	_ =	shalt  }
0x5c: {  	_ =	shalt  }
0x5d: {  	_ =	shalt  }
0x5e: {  	_ =	shalt  }
0x5f: {  	_ =	shalt  }
0x60: {  	_ =	shalt  }
0x61: {  	_ =	shalt  }
0x62: {  	_ =	shalt  }
0x63: {  	_ =	shalt  }
0x64: {  	_ =	shalt  }
0x65: {  	_ =	shalt  }
0x66: {  	_ =	shalt  }
0x67: {  	_ =	shalt  }
0x68: {  	_ =	shalt  }
0x69: {  	_ =	shalt  }
0x6a: {  	_ =	shalt  }
0x6b: {  	_ =	shalt  }
0x6c: {  	_ =	shalt  }
0x6d: {  	_ =	shalt  }
0x6e: {  	_ =	shalt  }
0x6f: {  	_ =	shalt  }
0x70: {  	_ =	shalt  }
0x71: {  	_ =	shalt  }
0x72: {  	_ =	shalt  }
0x73: {  	_ =	shalt  }
0x74: {  	_ =	shalt  }
0x75: {  	_ =	shalt  }
0x76: {  	_ =	shalt  }
0x77: {  	_ =	shalt  }
0x78: {  	_ =	shalt  }
0x79: {  	_ =	shalt  }
0x7a: {  	_ =	shalt  }
0x7b: {  	_ =	shalt  }
0x7c: {  	_ =	shalt  }
0x7d: {  	_ =	shalt  }
0x7e: {  	_ =	shalt  }
0x7f: {  	_ =	shalt  }
0x80: {  	_ =	shalt  }
0x81: {  	_ =	shalt  }
0x82: {  	_ =	shalt  }
0x83: {  	_ =	shalt  }
0x84: {  	_ =	shalt  }
0x85: {  	_ =	shalt  }
0x86: {  	_ =	shalt  }
0x87: {  	_ =	shalt  }
.Lfunc_end0:
.L_simem_size_0:
called_computation_lowered:
.L_overlay_start_0:
0x88: {  	s2 =	sld [smem:$0x3FD9]  }
0x89: {  	s3 =	sld [smem:$0x3FFE];
	_ =	sdelay $0x1  }
0x8a: {  	s1 =	srdreg.scid  }
0x8b: {  	s0 =	sand.u32 $0x1, s1  }
0x8c: {  	s17 =	sshll.u32 s0, $0xA;
	s2 =	sadd.s32 s3, s2  }
0x8d: {  	s2 =	sadd.s32 s2, s17  }
0x8e: {  	[smem:$0x3FC3] =	sst s2  }
0x8f: {  	_ = 	snop  }
0x90: {  	(tm) =	ssettm $0x1  }
0x91: {  	s18 =	sld [smem:$0x3FFB];
	_ =	sdelay $0x3  }
0x92: {  	_ =	strace s18  }
0x93: {  	s2 =	sld [smem:$0x3FFC];
	_ =	sdelay $0x3  }
0x94: {  	_ =	strace s2  }
0x95: {  	s2 =	sld [smem:$0x3FFD];
	_ =	sdelay $0x3  }
0x96: {  	_ =	strace s2  }
0x97: {  	_ =	strace $0x8FFFFFFF  }
0x98: {  	s19 =	sld [smem:$0x3FDB];
	_ =	sdelay $0x1  }
0x99: {  	s20 =	simm.s32 $_scs_section_size  }
0x9a: {  	s4 =	simm.s32 $_size__tile_overlayer_lowered;
	s5 =	simm.s32 $_tile_overlayer_lowered  }
0x9b: {  	s6 =	simm.s32 $0x1BFF;
	s21 =	sshll.u32 s5, $0x1;
	s3 =	sadd.s32 s20, s19  }
0x9c: {  	s22 =	simm.s32 $0x0;
	s4 =	sshll.u32 s4, $0x1;
	s5 =	sadd.s32 s21, s3  }
0x9d: {  	[timem:s22], [sflag:s6] =	dma.local [hbm:s5], s4  }
0x9e: {  	_ =	swait.ge [sflag:s6], s4  }
0x9f: {  	s4 =	ssub.s32 $0x0, s4;
	[sflag:s6] =	ssyncset.done $0x0  }
0xa0: {  	[sflag:s6] =	ssyncadd.s32 s4;
	_ =	sdelay $0x1  }
0xa1: {  	s23 =	simm.s32 $0x1B8B  }
0xa2: {  	_ =	swait.ge [sflag:s23], $0x1  }
0xa3: {  	[sflag:s23] =	ssyncset.done $0x0  }
0xa4: {  	[sflag:s23] =	ssyncadd.s32 $0xFFFFFFFF  }
0xa5: {  	s4 =	sld [smem:$0x0]  }
0xa6: {  	s5 =	sand.u32 $0xFFFFFFFE, s1  }
0xa7: {  	p0 =	sne.s32 s1, s5  }
0xa8: {  	s5 =	sshll.u32 @p0 s5, $0xE  }
0xa9: {  	s5 =	sadd.s32 @p0 $0x11B8D, s5;
	s6 =	sshll.u32 @p0 s4, $0x11  }
0xaa: {  	s5 =	sor.u32 @p0 s6, s5  }
0xab: {  	[sflag:s5] =	ssyncadd.remote.s32 @p0 $0x1;
	_ =	sdelay $0x1  }
0xac: {  	s5 =	simm.s32 @p0 $0x1B8D  }
0xad: {  	_ =	swait.eq @p0 [sflag:s5], $0x1  }
0xae: {  	[sflag:s5] =	ssyncadd.s32 @p0 $0xFFFFFFFF  }
0xaf: {  	s6 =	sshll.u32 @!p0 s1, $0xE  }
0xb0: {  	s6 =	sor.u32 @!p0 $0x4000, s6;
	s5 =	simm.s32 @!p0 $0x1B8D  }
0xb1: {  	s4 =	sshll.u32 @!p0 s4, $0x11;
	s6 =	sadd.s32 @!p0 $0x11B8D, s6;
	_ =	swait.eq @!p0 [sflag:s5], $0x1  }
0xb2: {  	s4 =	sor.u32 @!p0 s4, s6;
	[sflag:s5] =	ssyncadd.s32 @!p0 $0xFFFFFFFF  }
0xb3: {  	s25 =	simm.s32 $0x1B8E;
	s24 =	sld [smem:$0x3FFE];
	[sflag:s4] =	ssyncadd.remote.s32 @!p0 $0x1  }
0xb4: {  	s26 =	simm.s32 $execute0_lowered;
	[smem:$0x3FD2] =	sst s25  }
0xb5: {  	s5 =	sshll.u32 s26, $0x1;
	_ =	strace $0x80000049;
	[dreg:$0x1] =	wrdreg $0xFFFFFFFF  }
0xb6: {  	s28 =	simm.s32 $_size_execute0_lowered;
	s3 =	sadd.s32 s3, s5;
	[dreg:$0x0] =	wrdreg $0x0  }
0xb7: {  	s5 =	sshll.u32 s28, $0x1;
	[dreg:$0x2] =	wrdreg s3  }
0xb8: {  	[dreg:$0x3] =	wrdreg s5  }
0xb9: {  	[dreg:$0x4] =	wrdreg $0xC0  }
0xba: {  	_ =	task [dreg:s22], $0x5FFFF  }
0xbb: {  	[dreg:$0x1] =	wrdreg $0xFFFFFFFF  }
0xbc: {  	[dreg:$0x0] =	wrdreg $0x60  }
0xbd: {  	[dreg:$0x2] =	wrdreg s24  }
0xbe: {  	[dreg:$0x3] =	wrdreg $0x9  }
0xbf: {  	_ =	task.clear_ibuf [dreg:s22], $0x4FFFF;
	_ =	strace $0x90000049  }
0xc0: {  	s29 =	simm.s32 $0x9;
	_ =	strace $0x8000004B  }
0xc1: {  	_ =	swait.ge [sflag:s29], $0x1  }
0xc2: {  	[sflag:s29] =	ssyncadd.s32 $0xFFFFFFFF  }
0xc3: {  	_ =	strace $0x9000004B  }
0xc4: {  	_ =	sfence  }
0xc5: {  	s30 =	sld [smem:$0x0];
	_ =	sdelay $0x2  }
0xc6: {  	s31 =	sshll.u32 s1, $0xD;
	s1 =	sshrl.u32 s1, $0x2  }
0xc7: {  	s4 =	sand.u32 $0x4000, s31;
	s1 =	sadd.s32 s1, s30  }
0xc8: {  	s0 =	sor.u32 s4, s0;
	s1 =	sshll.u32 s1, $0x11  }
0xc9: {  	s0 =	sor.u32 s1, s0  }
0xca: {  	s0 =	sadd.s32 $0x8F2B, s0  }
0xcb: {  	[sflag:s0] =	ssyncadd.remote.s32 $0x1  }
0xcc: {  	_ =	sfence.sel $0xFFFF  }
0xcd: {  	[dreg:$0x0] =	wrdreg $0xFFFFFFFF;
	(pc) =	sbr.abs _section_cstart, $3  }
0xce: {  	[dreg:$0x1] =	wrdreg $0xFFFFFFFF  }
0xcf: {  	_ =	task.clear_ibuf [dreg:s22], $0x2FFFF;
	_ =	strace $0x9FFFFFFF  }
0xd0: {  	(tm) =	ssettm $0x7FFFFFFF  }
0xd1: {  	_ =	shalt  }
tec
execute0_lowered:
.L_overlay_start_1:
0x0: {  	(tag) =	ssettag $0x1  }
0x1: {  	s0 =	srdreg.scid  }
0x2: {  	s2 =	stileid.u32;
	s1 =	rddreg [dreg:$0x0]  }
0x3: {  	s7 =	simm.s32 $0x2;
	s8 =	simm.s32 $0x80;
	s10 =	simm.s32 $0xD00  }
0x4: {  	s11 =	simm.s32 $0x100;
	s12 =	simm.s32 $0x1500;
	s13 =	simm.s32 $0x180  }
0x5: {  	s14 =	simm.s32 $0x1D00;
	s15 =	simm.s32 $0x200;
	s16 =	simm.s32 $0x2500  }
0x6: {  	s17 =	simm.s32 $0x280;
	s18 =	simm.s32 $0x2D00;
	s19 =	simm.s32 $0x300  }
0x7: {  	s20 =	simm.s32 $0x3500;
	s21 =	simm.s32 $0x380;
	s22 =	simm.s32 $0x3D00  }
0x8: {  	s23 =	simm.s32 $0x400;
	s24 =	simm.s32 $0x4500;
	s25 =	simm.s32 $0x480  }
0x9: {  	s26 =	simm.s32 $0x4D00;
	s28 =	simm.s32 $0x1;
	s29 =	simm.s32 $0x5500  }
0xa: {  	s0 =	sand.u32 $0x1, s0;
	s3 =	sshll.u32 s2, $0x1;
	s2 =	simm.s32 $0x0  }
0xb: {  	s30 =	simm.s32 $0x0;
	s3 =	sor.u32 s0, s3;
	[smem:$0x7FF] =	sst s2  }
0xc: {  	s0 =	ssub.s32 $0x2, s0;
	s4 =	smul.u32 $0xA0, s3;
	_ =	strace $0x8000004A  }
0xd: {  	s5 =	sshll.u32 s3, $0x6;
	s3 =	sadd.s32 $0x1A00, s1;
	s31 =	sshrl.u32 s0, $0x1  }
0xe: {  	s0 =	ssub.s32 s0, s31;
	s4 =	sadd.s32 s4, s1;
	s1 =	sadd.s32 s5, s1  }
0xf: {  	s6 =	smax.u32 s0, $0x1;
	s4 =	sadd.s32 $0x1EA000, s4;
	s5 =	sadd.s32 $0x1EB400, s1  }
.LBB2_1:
0x10: {  	[tilespmem:s2], [sflag:$0x2] =	stream.linear.gather [hbm4b:s4+s2], $0x500, $0x38;
	[tilespmem:$0x5700] =	vst v63  }
0x11: {  	_ =	swait.ge [sflag:s7], $0x500  }
0x12: {  	[sflag:s7] =	ssyncset.done $0x0  }
0x13: {  	s0 =	simm.s32 $0x500;
	[sflag:s7] =	ssyncadd.s32 $0xFFFFFB00  }
0x14: {  	[tilespmem:s0], [sflag:$0x1] =	stream.indirect.gather [hbm4b:s3+s8], $0x10, s2, s8, $0xb8;
	[tilespmem:$0x5700] =	vst v63  }
0x15: {  	_ = 	snop  }
0x16: {  	[tilespmem:s10], [sflag:$0x1] =	stream.indirect.gather [hbm4b:s3+s8], $0x10, s8, s8, $0xb8;
	[tilespmem:$0x5700] =	vst v63  }
0x17: {  	_ = 	snop  }
0x18: {  	[tilespmem:s12], [sflag:$0x1] =	stream.indirect.gather [hbm4b:s3+s8], $0x10, s11, s8, $0xb8;
	[tilespmem:$0x5700] =	vst v63  }
0x19: {  	_ = 	snop  }
0x1a: {  	[tilespmem:s14], [sflag:$0x1] =	stream.indirect.gather [hbm4b:s3+s8], $0x10, s13, s8, $0xb8;
	[tilespmem:$0x5700] =	vst v63  }
0x1b: {  	_ = 	snop  }
0x1c: {  	[tilespmem:s16], [sflag:$0x1] =	stream.indirect.gather [hbm4b:s3+s8], $0x10, s15, s8, $0xb8;
	[tilespmem:$0x5700] =	vst v63  }
0x1d: {  	_ = 	snop  }
0x1e: {  	[tilespmem:s18], [sflag:$0x1] =	stream.indirect.gather [hbm4b:s3+s8], $0x10, s17, s8, $0xb8;
	[tilespmem:$0x5700] =	vst v63  }
0x1f: {  	_ = 	snop  }
0x20: {  	[tilespmem:s20], [sflag:$0x1] =	stream.indirect.gather [hbm4b:s3+s8], $0x10, s19, s8, $0xb8;
	[tilespmem:$0x5700] =	vst v63  }
0x21: {  	_ = 	snop  }
0x22: {  	[tilespmem:s22], [sflag:$0x1] =	stream.indirect.gather [hbm4b:s3+s8], $0x10, s21, s8, $0xb8;
	[tilespmem:$0x5700] =	vst v63  }
0x23: {  	_ = 	snop  }
0x24: {  	[tilespmem:s24], [sflag:$0x1] =	stream.indirect.gather [hbm4b:s3+s8], $0x10, s23, s8, $0xb8;
	[tilespmem:$0x5700] =	vst v63  }
0x25: {  	_ = 	snop  }
0x26: {  	[tilespmem:s26], [sflag:$0x1] =	stream.indirect.gather [hbm4b:s3+s8], $0x10, s25, s8, $0xb8;
	[tilespmem:$0x5700] =	vst v63  }
0x27: {  	_ =	swait.ge [sflag:s28], $0x800  }
0x28: {  	[sflag:s28] =	ssyncset.done $0x0  }
0x29: {  	[sflag:s28] =	ssyncadd.s32 $0xFFFFF800  }
0x2a: {  	_ =	swait.ge [sflag:s28], $0x800  }
0x2b: {  	[sflag:s28] =	ssyncset.done $0x0  }
0x2c: {  	[sflag:s28] =	ssyncadd.s32 $0xFFFFF800  }
0x2d: {  	_ =	swait.ge [sflag:s28], $0x800  }
0x2e: {  	[sflag:s28] =	ssyncset.done $0x0  }
0x2f: {  	[sflag:s28] =	ssyncadd.s32 $0xFFFFF800  }
0x30: {  	_ =	swait.ge [sflag:s28], $0x800  }
0x31: {  	[sflag:s28] =	ssyncset.done $0x0  }
0x32: {  	[sflag:s28] =	ssyncadd.s32 $0xFFFFF800  }
0x33: {  	_ =	swait.ge [sflag:s28], $0x800  }
0x34: {  	[sflag:s28] =	ssyncset.done $0x0  }
0x35: {  	[sflag:s28] =	ssyncadd.s32 $0xFFFFF800  }
0x36: {  	_ =	swait.ge [sflag:s28], $0x800  }
0x37: {  	[sflag:s28] =	ssyncset.done $0x0  }
0x38: {  	[sflag:s28] =	ssyncadd.s32 $0xFFFFF800  }
0x39: {  	_ =	swait.ge [sflag:s28], $0x800  }
0x3a: {  	[sflag:s28] =	ssyncset.done $0x0  }
0x3b: {  	[sflag:s28] =	ssyncadd.s32 $0xFFFFF800  }
0x3c: {  	_ =	swait.ge [sflag:s28], $0x800  }
0x3d: {  	[sflag:s28] =	ssyncset.done $0x0  }
0x3e: {  	[sflag:s28] =	ssyncadd.s32 $0xFFFFF800  }
0x3f: {  	_ =	swait.ge [sflag:s28], $0x800  }
0x40: {  	[sflag:s28] =	ssyncset.done $0x0  }
0x41: {  	[sflag:s28] =	ssyncadd.s32 $0xFFFFF800  }
0x42: {  	_ =	swait.ge [sflag:s28], $0x800  }
0x43: {  	[sflag:s28] =	ssyncset.done $0x0  }
0x44: {  	s31 =	simm.s32 $0x640;
	[sflag:s28] =	ssyncadd.s32 $0xFFFFF800  }
0x45: {  	v0 =	vld [tilespmem:s31+$0xFFFFFED0]  }
0x46: {  	s1 =	simm.s32 $0x0;
	s0 =	simm.s32 $0x40;
	v1 =	vld [tilespmem:s31+$0xFFFFFEC0]  }
.LBB2_2:
0x47: {  	p0 =	sne.s32 s0, $0x7C0  }
0x48: {  	v2 =	vld [tilespmem:s31+$0xFFFFFEE0];
	_ =	sdelay $0x1  }
0x49: {  	v3 =	vld [tilespmem:s31+$0xFFFFFEF0]  }
0x4a: {  	v0 =	vadd.f32 v0, v1  }
0x4b: {  	v1 =	vld [tilespmem:s31+$0xFFFFFF00]  }
0x4c: {  	v0 =	vadd.f32 v2, v0  }
0x4d: {  	v2 =	vld [tilespmem:s31+$0xFFFFFF10]  }
0x4e: {  	v0 =	vadd.f32 v3, v0  }
0x4f: {  	v3 =	vld [tilespmem:s31+$0xFFFFFF20]  }
0x50: {  	v0 =	vadd.f32 v1, v0  }
0x51: {  	v1 =	vld [tilespmem:s31+$0xFFFFFF30]  }
0x52: {  	v0 =	vadd.f32 v2, v0  }
0x53: {  	v2 =	vld [tilespmem:s31+$0xFFFFFF40]  }
0x54: {  	v0 =	vadd.f32 v3, v0  }
0x55: {  	v3 =	vld [tilespmem:s31+$0xFFFFFF50]  }
0x56: {  	v0 =	vadd.f32 v1, v0  }
0x57: {  	v1 =	vld [tilespmem:s31+$0xFFFFFF60]  }
0x58: {  	v0 =	vadd.f32 v2, v0  }
0x59: {  	v2 =	vld [tilespmem:s31+$0xFFFFFF70]  }
0x5a: {  	v0 =	vadd.f32 v3, v0  }
0x5b: {  	v3 =	vld [tilespmem:s31+$0xFFFFFF80]  }
0x5c: {  	v0 =	vadd.f32 v1, v0  }
0x5d: {  	v1 =	vld [tilespmem:s31+$0xFFFFFF90]  }
0x5e: {  	v0 =	vadd.f32 v2, v0  }
0x5f: {  	v2 =	vld [tilespmem:s31+$0xFFFFFFA0]  }
0x60: {  	v0 =	vadd.f32 v3, v0  }
0x61: {  	v3 =	vld [tilespmem:s31+$0xFFFFFFB0]  }
0x62: {  	v0 =	vadd.f32 v1, v0  }
0x63: {  	v1 =	vld [tilespmem:s31+$0xFFFFFFC0]  }
0x64: {  	v0 =	vadd.f32 v2, v0  }
0x65: {  	v2 =	vld [tilespmem:s31+$0xFFFFFFD0]  }
0x66: {  	v0 =	vadd.f32 v3, v0  }
0x67: {  	v3 =	vld [tilespmem:s31+$0xFFFFFFE0]  }
0x68: {  	v0 =	vadd.f32 v1, v0  }
0x69: {  	v1 =	vld [tilespmem:s31+$0xFFFFFFF0]  }
0x6a: {  	v0 =	vadd.f32 v2, v0  }
0x6b: {  	v2 =	vld [tilespmem:s31+$0x0]  }
0x6c: {  	v0 =	vadd.f32 v3, v0  }
0x6d: {  	v3 =	vld [tilespmem:s31+$0x10]  }
0x6e: {  	v0 =	vadd.f32 v1, v0  }
0x6f: {  	v1 =	vld [tilespmem:s31+$0x20]  }
0x70: {  	v0 =	vadd.f32 v2, v0  }
0x71: {  	v2 =	vld [tilespmem:s31+$0x30]  }
0x72: {  	v0 =	vadd.f32 v3, v0  }
0x73: {  	v3 =	vld [tilespmem:s31+$0x40]  }
0x74: {  	v0 =	vadd.f32 v1, v0  }
0x75: {  	v1 =	vld [tilespmem:s31+$0x50]  }
0x76: {  	v0 =	vadd.f32 v2, v0  }
0x77: {  	v2 =	vld [tilespmem:s31+$0x60]  }
0x78: {  	v0 =	vadd.f32 v3, v0  }
0x79: {  	v3 =	vld [tilespmem:s31+$0x70]  }
0x7a: {  	v0 =	vadd.f32 v1, v0  }
0x7b: {  	v1 =	vld [tilespmem:s31+$0x80]  }
0x7c: {  	v0 =	vadd.f32 v2, v0  }
0x7d: {  	v2 =	vld [tilespmem:s31+$0x90]  }
0x7e: {  	v0 =	vadd.f32 v3, v0  }
0x7f: {  	v3 =	vld [tilespmem:s31+$0xA0]  }
0x80: {  	v0 =	vadd.f32 v1, v0  }
0x81: {  	v1 =	vld [tilespmem:s31+$0xB0]  }
0x82: {  	v0 =	vadd.f32 v2, v0  }
0x83: {  	v2 =	vld [tilespmem:s31+$0xC0]  }
0x84: {  	v0 =	vadd.f32 v3, v0  }
0x85: {  	v3 =	vld [tilespmem:s31+$0xD0]  }
0x86: {  	v0 =	vadd.f32 v1, v0  }
0x87: {  	v1 =	vld [tilespmem:s31+$0xE0]  }
0x88: {  	v0 =	vadd.f32 v2, v0  }
0x89: {  	v2 =	vld [tilespmem:s31+$0xF0]  }
0x8a: {  	v0 =	vadd.f32 v3, v0  }
0x8b: {  	v3 =	vld [tilespmem:s31+$0x100]  }
0x8c: {  	v0 =	vadd.f32 v1, v0  }
0x8d: {  	v1 =	vld [tilespmem:s31+$0x110]  }
0x8e: {  	v0 =	vadd.f32 v2, v0  }
0x8f: {  	v2 =	vld [tilespmem:s31+$0x120]  }
0x90: {  	v0 =	vadd.f32 v3, v0  }
0x91: {  	v3 =	vld [tilespmem:s31+$0x130]  }
0x92: {  	v0 =	vadd.f32 v1, v0;
	_ =	sdelay $0x1  }
0x93: {  	v0 =	vadd.f32 v2, v0;
	_ =	sdelay $0x1  }
.Ltmp0:
0x94: {  	v0 =	vadd.f32 v3, v0;
	(pc) =	sbr.rel @p0 .LBB2_2-.Ltmp0, $4  }
0x95: {  	s9 =	sshra.s32 s1, $0x2;
	s1 =	smov.u32 s0  }
0x96: {  	s31 =	sadd.s32 $0x280, s31;
	[tilespmem:s9+$0x5500] =	vst v0  }
0x97: {  	v0 =	vld [tilespmem:s31+$0xFFFFFED0]  }
0x98: {  	s0 =	sadd.s32 $0x40, s0;
	v1 =	vld [tilespmem:s31+$0xFFFFFEC0]  }
0x99: {  	_ = 	snop  }
0x9a: {  	v2 =	vld [tilespmem:s31+$0xFFFFFEE0];
	_ =	sdelay $0x1  }
0x9b: {  	v3 =	vld [tilespmem:s31+$0xFFFFFEF0]  }
0x9c: {  	v0 =	vadd.f32 v0, v1  }
0x9d: {  	v28 =	vld [tilespmem:s31+$0xFFFFFF00]  }
0x9e: {  	v0 =	vadd.f32 v2, v0  }
0x9f: {  	v29 =	vld [tilespmem:s31+$0xFFFFFF10]  }
0xa0: {  	v0 =	vadd.f32 v3, v0  }
0xa1: {  	v30 =	vld [tilespmem:s31+$0xFFFFFF20]  }
0xa2: {  	v0 =	vadd.f32 v28, v0  }
0xa3: {  	v31 =	vld [tilespmem:s31+$0xFFFFFF30]  }
0xa4: {  	v0 =	vadd.f32 v29, v0  }
0xa5: {  	v32 =	vld [tilespmem:s31+$0xFFFFFF40]  }
0xa6: {  	v0 =	vadd.f32 v30, v0  }
0xa7: {  	v33 =	vld [tilespmem:s31+$0xFFFFFF50]  }
0xa8: {  	v0 =	vadd.f32 v31, v0  }
0xa9: {  	v34 =	vld [tilespmem:s31+$0xFFFFFF60]  }
0xaa: {  	v0 =	vadd.f32 v32, v0  }
0xab: {  	v35 =	vld [tilespmem:s31+$0xFFFFFF70]  }
0xac: {  	v0 =	vadd.f32 v33, v0  }
0xad: {  	v36 =	vld [tilespmem:s31+$0xFFFFFF80]  }
0xae: {  	v0 =	vadd.f32 v34, v0  }
0xaf: {  	v37 =	vld [tilespmem:s31+$0xFFFFFF90]  }
0xb0: {  	v0 =	vadd.f32 v35, v0  }
0xb1: {  	v38 =	vld [tilespmem:s31+$0xFFFFFFA0]  }
0xb2: {  	v0 =	vadd.f32 v36, v0  }
0xb3: {  	v39 =	vld [tilespmem:s31+$0xFFFFFFB0]  }
0xb4: {  	v0 =	vadd.f32 v37, v0  }
0xb5: {  	v40 =	vld [tilespmem:s31+$0xFFFFFFC0]  }
0xb6: {  	v0 =	vadd.f32 v38, v0  }
0xb7: {  	v41 =	vld [tilespmem:s31+$0xFFFFFFD0]  }
0xb8: {  	v0 =	vadd.f32 v39, v0  }
0xb9: {  	v42 =	vld [tilespmem:s31+$0xFFFFFFE0]  }
0xba: {  	v0 =	vadd.f32 v40, v0  }
0xbb: {  	v43 =	vld [tilespmem:s31+$0xFFFFFFF0]  }
0xbc: {  	v0 =	vadd.f32 v41, v0  }
0xbd: {  	v44 =	vld [tilespmem:s31+$0x0]  }
0xbe: {  	v0 =	vadd.f32 v42, v0  }
0xbf: {  	v45 =	vld [tilespmem:s31+$0x10]  }
0xc0: {  	v0 =	vadd.f32 v43, v0  }
0xc1: {  	v46 =	vld [tilespmem:s31+$0x20]  }
0xc2: {  	v0 =	vadd.f32 v44, v0  }
0xc3: {  	v47 =	vld [tilespmem:s31+$0x30]  }
0xc4: {  	v0 =	vadd.f32 v45, v0  }
0xc5: {  	v48 =	vld [tilespmem:s31+$0x40]  }
0xc6: {  	v0 =	vadd.f32 v46, v0  }
0xc7: {  	v49 =	vld [tilespmem:s31+$0x50]  }
0xc8: {  	v0 =	vadd.f32 v47, v0  }
0xc9: {  	v50 =	vld [tilespmem:s31+$0x60]  }
0xca: {  	v0 =	vadd.f32 v48, v0  }
0xcb: {  	v51 =	vld [tilespmem:s31+$0x70]  }
0xcc: {  	v0 =	vadd.f32 v49, v0  }
0xcd: {  	v52 =	vld [tilespmem:s31+$0x80]  }
0xce: {  	v0 =	vadd.f32 v50, v0  }
0xcf: {  	v53 =	vld [tilespmem:s31+$0x90]  }
0xd0: {  	v0 =	vadd.f32 v51, v0  }
0xd1: {  	v54 =	vld [tilespmem:s31+$0xA0]  }
0xd2: {  	v0 =	vadd.f32 v52, v0  }
0xd3: {  	v55 =	vld [tilespmem:s31+$0xB0]  }
0xd4: {  	v0 =	vadd.f32 v53, v0  }
0xd5: {  	v56 =	vld [tilespmem:s31+$0xC0]  }
0xd6: {  	v0 =	vadd.f32 v54, v0  }
0xd7: {  	v57 =	vld [tilespmem:s31+$0xD0]  }
0xd8: {  	v0 =	vadd.f32 v55, v0  }
0xd9: {  	v58 =	vld [tilespmem:s31+$0xE0]  }
0xda: {  	v0 =	vadd.f32 v56, v0  }
0xdb: {  	v59 =	vld [tilespmem:s31+$0xF0]  }
0xdc: {  	v0 =	vadd.f32 v57, v0  }
0xdd: {  	v60 =	vld [tilespmem:s31+$0x100]  }
0xde: {  	v0 =	vadd.f32 v58, v0  }
0xdf: {  	v61 =	vld [tilespmem:s31+$0x110]  }
0xe0: {  	v0 =	vadd.f32 v59, v0  }
0xe1: {  	v62 =	vld [tilespmem:s31+$0x120]  }
0xe2: {  	v0 =	vadd.f32 v60, v0  }
0xe3: {  	v63 =	vld [tilespmem:s31+$0x130]  }
0xe4: {  	v0 =	vadd.f32 v61, v0;
	_ =	sdelay $0x1  }
0xe5: {  	v0 =	vadd.f32 v62, v0;
	_ =	sdelay $0x1  }
0xe6: {  	s30 =	sadd.s32 $0x1, s30;
	v0 =	vadd.f32 v63, v0  }
0xe7: {  	s0 =	sshra.s32 s1, $0x2;
	p0 =	sne.s32 s30, s6  }
.Ltmp1:
0xe8: {  	[tilespmem:s0+$0x5500] =	vst v0;
	(pc) =	sbr.rel @p0 .LBB2_1-.Ltmp1, $4  }
0xe9: {  	[hbm4b:s5+s2] =	stream.linear.scatter [tilespmem:s29], [sflag:$0x2], $0x200, $0x38;
	[tilespmem:$0x5700] =	vst v63  }
0xea: {  	_ =	swait.ge [sflag:s7], $0x200  }
0xeb: {  	[sflag:s7] =	ssyncset.done $0x0  }
0xec: {  	[sflag:s7] =	ssyncadd.s32 $0xFFFFFE00  }
0xed: {  	_ =	sfence.sel $0x180000  }
0xee: {  	[bflag:$0x0] =	sbarrier.arrive $0xFFFF  }
0xef: {  	_ =	strace $0x9000004A  }
0xf0: {  	s0 =	stileid.u32;
	[bflag:$0x2] =	sbarrier.arrive $0xFFFF  }
0xf1: {  	p0 =	sne.s32 s0, $0x0;
	s0 =	rddreg [dreg:$0x1]  }
0xf2: {  	s0 =	sadd.s32 @!p0 $0x100000, s0  }
0xf3: {  	[sflag:s0] =	ssyncadd.tile.s32 @!p0 $0x1;
	_ =	shalt  }
.Lfunc_end2:
_tile_overlayer_lowered:
.L_overlay_start_2:
0xf4: {  	(tag) =	ssettag $0x2  }
0xf5: {  	s0 =	rddreg [dreg:$0x0];
	s2 =	stileid.u32  }
0xf6: {  	s1 =	rddreg [dreg:$0x1];
	p0 =	sne.s32 s2, $0x0  }
0xf7: {  	s3 =	rddreg [dreg:$0x2];
	[bflag:$0x3] =	sbarrier.arrive $0xFFFF;
	s2 =	simm.s32 @!p0 $0x1C02  }
0xf8: {  	[timem:s3], [sflag:s2] =	dma.local @!p0 [hbm:s0], s1  }
0xf9: {  	s0 =	simm.s32 @!p0 $0x2  }
0xfa: {  	_ =	swait.ge @!p0 [sflag:s0], s1  }
0xfb: {  	s1 =	ssub.s32 @!p0 $0x0, s1;
	[sflag:s0] =	ssyncset.done @!p0 $0x0  }
0xfc: {  	[sflag:s0] =	ssyncadd.s32 @!p0 s1  }
0xfd: {  	[bflag:$0x3] =	sbarrier.arrive $0xFFFF  }
0xfe: {  	_ =	shalt  }

// kernel: kernel.9.cloned.1.call-start
scs
__scs_entry_jumppad:
0x0: {  	(pc) =	sbr.rel $0x88, $3  }
0x1: {  	(tag) =	ssettag $0x0;
	lr =	simm.s32 $0x1  }
0x2: {  	[smem:$0x3F9C] =	sst lr;
	_ =	strace $0xD0000000  }
0x3: {  	_ = 	snop  }
0x4: {  	_ = 	snop  }
0x5: {  	_ = 	snop  }
0x6: {  	_ = 	snop  }
0x7: {  	_ = 	snop  }
__scs_overlays_trampoline_lowered:
0x8: {  	[smem:$0x3FAB] =	sst s0  }
0x9: {  	[smem:$0x3FAC] =	sst s1  }
0xa: {  	[smem:$0x3FAD] =	sst s2  }
0xb: {  	[smem:$0x3FAE] =	sst s3  }
0xc: {  	[smem:$0x3FAF] =	sst s4  }
0xd: {  	[smem:$0x3FB0] =	sst s5  }
0xe: {  	[smem:$0x3FB1] =	sst s6  }
0xf: {  	[smem:$0x3FB2] =	sst s7  }
0x10: {  	[smem:$0x3FB3] =	sst s8  }
0x11: {  	[smem:$0x3FB4] =	sst s9;
	s0 =	simm.s32 @!p0 $0x0  }
0x12: {  	s1 =	sld [smem:$0x3F9A];
	s0 =	simm.s32 @p0 $0x1  }
0x13: {  	[smem:$0x3FB5] =	sst s0;
	s0 =	simm.s32 @!p1 $0x0  }
0x14: {  	s2 =	sld [smem:$0x3F99];
	s0 =	simm.s32 @p1 $0x1  }
0x15: {  	[smem:$0x3FB6] =	sst s0;
	s0 =	simm.s32 @!p2 $0x0  }
0x16: {  	s3 =	sld [smem:$0x3FDB];
	s0 =	simm.s32 @p2 $0x1  }
0x17: {  	s4 =	simm.s32 $0x1BF5;
	[smem:$0x3FB8] =	sst s0  }
0x18: {  	s0 =	sld [smem:$0x3F9B];
	_ =	swait.ge [sflag:s4], $0x0  }
0x19: {  	s7 =	sld [smem:$0x3F9C]  }
0x1a: {  	s8 =	sadd.s32 $0xFFFFE003, lr  }
0x1b: {  	s9 =	sadd.s32 $0xFFFFFEF7, lr;
	s5 =	simm.s32 $0xFFFFFFFF;
	p2 =	slt.u32 s8, $0xFFFFF086  }
0x1c: {  	p1 =	slt.u32 s9, $0xF7A;
	s5 =	simm.s32 @!p2 $0x0  }
0x1d: {  	s5 =	simm.s32 @p1 $0x1;
	p0 =	seq.s32 s7, s2  }
0x1e: {  	s7 =	smul.u32 @!p0 $0xF7A, s2;
	p2 =	seq.s32 @!p0 s5, $0x0  }
0x1f: {  	s9 =	smul.u32 $0xF7A, s1;
	s8 =	simm.s32 @!p0 $0x1BF5;
	p2 =	por !p2, p0  }
0x20: {  	[sflag:s8] =	ssyncset.s32 @!p0 $0xFFFFF086;
	s6 =	sadd.s32 @!p0 s3, s7;
	s7 =	simm.s32 @!p0 $0x108  }
0x21: {  	s3 =	sadd.s32 s3, s9;
	s6 =	sadd.s32 @!p0 $0x88, s6;
	s7 =	simm.s32 @p2 $0x1082  }
0x22: {  	[simem:s7], [sflag:s8] =	dma.local @!p0 [hbm:s6], $0xF7A  }
0x23: {  	s9 =	sor.u32 $0xD0000000, s2;
	s6 =	simm.s32 $0x108;
	_ =	swait.ge @!p0 [sflag:s8], $0x0  }
0x24: {  	s3 =	sadd.s32 $0x88, s3;
	s6 =	simm.s32 @!p1 $0x1082;
	[sflag:s4] =	ssyncset.s32 $0xFFFFF086  }
0x25: {  	[simem:s6], [sflag:s4] =	dma.local [hbm:s3], $0xF7A  }
0x26: {  	[smem:$0x3F9C] =	sst s1;
	(tag) =	ssettag s2;
	_ =	strace s9  }
0x27: {  	s1 =	sld [smem:$0x3FAC]  }
0x28: {  	s2 =	sld [smem:$0x3FAD]  }
0x29: {  	s4 =	sld [smem:$0x3FAF]  }
0x2a: {  	p0 =	seq.s32 s5, $0x0;
	s5 =	sld [smem:$0x3FB0]  }
0x2b: {  	s6 =	sld [smem:$0x3FB1]  }
0x2c: {  	s7 =	sld [smem:$0x3FB2]  }
0x2d: {  	s3 =	simm.s32 $0x108;
	s8 =	sld [smem:$0x3FB3]  }
0x2e: {  	s3 =	simm.s32 @!p0 $0x1082;
	s9 =	sld [smem:$0x3FB4]  }
0x2f: {  	lr =	sadd.s32 s0, s3;
	s0 =	sld [smem:$0x3FAB]  }
0x30: {  	s3 =	sld [smem:$0x3FAE]  }
0x31: {  	[smem:$0x3FB7] =	sst s10  }
0x32: {  	s10 =	sld [smem:$0x3FB5];
	_ =	sdelay $0x3  }
0x33: {  	p0 =	seq.s32 s10, $0x1;
	s10 =	sld [smem:$0x3FB7];
	_ =	sdelay $0x3  }
0x34: {  	[smem:$0x3FB7] =	sst s10  }
0x35: {  	s10 =	sld [smem:$0x3FB6];
	_ =	sdelay $0x3  }
0x36: {  	p1 =	seq.s32 s10, $0x1;
	s10 =	sld [smem:$0x3FB7];
	_ =	sdelay $0x3  }
0x37: {  	[smem:$0x3FB7] =	sst s10  }
0x38: {  	s10 =	sld [smem:$0x3FB8]  }
0x39: {  	_ = 	snop;
	(pc) =	sbr.ind lr, $3  }
0x3a: {  	_ = 	snop  }
0x3b: {  	_ = 	snop  }
0x3c: {  	p2 =	seq.s32 s10, $0x1;
	s10 =	sld [smem:$0x3FB7]  }
0x3d: {  	_ =	shalt  }
0x3e: {  	_ =	shalt  }
0x3f: {  	_ =	shalt  }
0x40: {  	_ =	shalt  }
0x41: {  	_ =	shalt  }
0x42: {  	_ =	shalt  }
0x43: {  	_ =	shalt  }
0x44: {  	_ =	shalt  }
0x45: {  	_ =	shalt  }
0x46: {  	_ =	shalt  }
0x47: {  	_ =	shalt  }
0x48: {  	_ =	shalt  }
0x49: {  	_ =	shalt  }
0x4a: {  	_ =	shalt  }
0x4b: {  	_ =	shalt  }
0x4c: {  	_ =	shalt  }
0x4d: {  	_ =	shalt  }
0x4e: {  	_ =	shalt  }
0x4f: {  	_ =	shalt  }
0x50: {  	_ =	shalt  }
0x51: {  	_ =	shalt  }
0x52: {  	_ =	shalt  }
0x53: {  	_ =	shalt  }
0x54: {  	_ =	shalt  }
0x55: {  	_ =	shalt  }
0x56: {  	_ =	shalt  }
0x57: {  	_ =	shalt  }
0x58: {  	_ =	shalt  }
0x59: {  	_ =	shalt  }
0x5a: {  	_ =	shalt  }
0x5b: {  	_ =	shalt  }
0x5c: {  	_ =	shalt  }
0x5d: {  	_ =	shalt  }
0x5e: {  	_ =	shalt  }
0x5f: {  	_ =	shalt  }
0x60: {  	_ =	shalt  }
0x61: {  	_ =	shalt  }
0x62: {  	_ =	shalt  }
0x63: {  	_ =	shalt  }
0x64: {  	_ =	shalt  }
0x65: {  	_ =	shalt  }
0x66: {  	_ =	shalt  }
0x67: {  	_ =	shalt  }
0x68: {  	_ =	shalt  }
0x69: {  	_ =	shalt  }
0x6a: {  	_ =	shalt  }
0x6b: {  	_ =	shalt  }
0x6c: {  	_ =	shalt  }
0x6d: {  	_ =	shalt  }
0x6e: {  	_ =	shalt  }
0x6f: {  	_ =	shalt  }
0x70: {  	_ =	shalt  }
0x71: {  	_ =	shalt  }
0x72: {  	_ =	shalt  }
0x73: {  	_ =	shalt  }
0x74: {  	_ =	shalt  }
0x75: {  	_ =	shalt  }
0x76: {  	_ =	shalt  }
0x77: {  	_ =	shalt  }
0x78: {  	_ =	shalt  }
0x79: {  	_ =	shalt  }
0x7a: {  	_ =	shalt  }
0x7b: {  	_ =	shalt  }
0x7c: {  	_ =	shalt  }
0x7d: {  	_ =	shalt  }
0x7e: {  	_ =	shalt  }
0x7f: {  	_ =	shalt  }
0x80: {  	_ =	shalt  }
0x81: {  	_ =	shalt  }
0x82: {  	_ =	shalt  }
0x83: {  	_ =	shalt  }
0x84: {  	_ =	shalt  }
0x85: {  	_ =	shalt  }
0x86: {  	_ =	shalt  }
0x87: {  	_ =	shalt  }
.Lfunc_end0:
.L_simem_size_0:
called_computation.1_lowered:
.L_overlay_start_0:
0x88: {  	s2 =	sld [smem:$0x3FD9]  }
0x89: {  	s3 =	sld [smem:$0x3FFE];
	_ =	sdelay $0x1  }
0x8a: {  	s1 =	srdreg.scid  }
0x8b: {  	s0 =	sand.u32 $0x1, s1  }
0x8c: {  	s14 =	sshll.u32 s0, $0xA;
	s2 =	sadd.s32 s3, s2  }
0x8d: {  	s2 =	sadd.s32 s2, s14  }
0x8e: {  	[smem:$0x3FC3] =	sst s2  }
0x8f: {  	_ = 	snop  }
0x90: {  	s2 =	sld [smem:$0x3FD0];
	_ =	sdelay $0x1  }
0x91: {  	s15 =	sld [smem:$0x3FC8]  }
0x92: {  	s5 =	simm.s32 $0xB;
	s6 =	simm.s32 $0x10;
	s4 =	sld [smem:$0x3FC5]  }
0x93: {  	[smem:s6], [sflag:s5] =	dma.local [hbm:s2], $0x1  }
0x94: {  	_ =	swait.eq [sflag:s5], $0x1  }
0x95: {  	[sflag:s5] =	ssyncset.done $0x0  }
0x96: {  	[sflag:s5] =	ssyncadd.s32 $0xFFFFFFFF  }
0x97: {  	s16 =	sld [smem:$0x11];
	(tm) =	ssettm $0x1  }
0x98: {  	s17 =	sld [smem:$0x3FFB];
	_ =	sdelay $0x3  }
0x99: {  	_ =	strace s17  }
0x9a: {  	s5 =	sld [smem:$0x3FFC];
	_ =	sdelay $0x3  }
0x9b: {  	_ =	strace s5  }
0x9c: {  	s5 =	sld [smem:$0x3FFD];
	_ =	sdelay $0x3  }
0x9d: {  	_ =	strace s5  }
0x9e: {  	_ =	strace $0x8FFFFFFF  }
0x9f: {  	s18 =	sld [smem:$0x3FDB];
	_ =	sdelay $0x1  }
0xa0: {  	s19 =	simm.s32 $_scs_section_size  }
0xa1: {  	s7 =	simm.s32 $_size__tile_overlayer_lowered;
	s8 =	simm.s32 $_tile_overlayer_lowered  }
0xa2: {  	s22 =	simm.s32 $0x1BFF;
	s21 =	sshll.u32 s8, $0x1;
	s5 =	sadd.s32 s19, s18  }
0xa3: {  	s9 =	simm.s32 $0x0;
	s20 =	sshll.u32 s7, $0x1;
	s7 =	sadd.s32 s21, s5  }
0xa4: {  	[timem:s9], [sflag:s22] =	dma.local [hbm:s7], s20  }
0xa5: {  	_ =	swait.ge [sflag:s22], s20  }
0xa6: {  	s6 =	ssub.s32 $0x0, s20;
	[sflag:s22] =	ssyncset.done $0x0  }
0xa7: {  	[sflag:s22] =	ssyncadd.s32 s6;
	_ =	sdelay $0x1  }
0xa8: {  	s23 =	simm.s32 $0x1B8B  }
0xa9: {  	_ =	swait.ge [sflag:s23], $0x1  }
0xaa: {  	[sflag:s23] =	ssyncset.done $0x0  }
0xab: {  	s25 =	simm.s32 $0x1B8E;
	s24 =	sld [smem:$0x3FFE];
	[sflag:s23] =	ssyncadd.s32 $0xFFFFFFFF  }
0xac: {  	s26 =	simm.s32 $execute0_lowered;
	[smem:$0x3FD2] =	sst s25  }
0xad: {  	s7 =	sshll.u32 s26, $0x1;
	_ =	strace $0x80000046;
	[dreg:$0x1] =	wrdreg $0xFFFFFFFF  }
0xae: {  	s28 =	simm.s32 $_size_execute0_lowered;
	s5 =	sadd.s32 s5, s7;
	[dreg:$0x0] =	wrdreg $0x0  }
0xaf: {  	s7 =	sshll.u32 s28, $0x1;
	[dreg:$0x2] =	wrdreg s5  }
0xb0: {  	[dreg:$0x3] =	wrdreg s7  }
0xb1: {  	[dreg:$0x4] =	wrdreg $0xC0  }
0xb2: {  	_ =	task [dreg:s9], $0x5FFFF  }
0xb3: {  	[dreg:$0x1] =	wrdreg $0xFFFFFFFF  }
0xb4: {  	[dreg:$0x0] =	wrdreg $0x60  }
0xb5: {  	[dreg:$0x2] =	wrdreg s15  }
0xb6: {  	[dreg:$0x3] =	wrdreg s24  }
0xb7: {  	[dreg:$0x4] =	wrdreg s4  }
0xb8: {  	[dreg:$0x5] =	wrdreg s16  }
0xb9: {  	[dreg:$0x6] =	wrdreg $0xA  }
0xba: {  	_ =	task.clear_ibuf [dreg:s9], $0x7FFFF;
	_ =	strace $0x90000046  }
0xbb: {  	s29 =	simm.s32 $0xA;
	_ =	strace $0x80000048  }
0xbc: {  	_ =	swait.ge [sflag:s29], $0x1  }
0xbd: {  	[sflag:s29] =	ssyncadd.s32 $0xFFFFFFFF  }
0xbe: {  	_ =	strace $0x90000048  }
0xbf: {  	_ =	sfence  }
0xc0: {  	s30 =	sld [smem:$0x0];
	_ =	sdelay $0x2  }
0xc1: {  	s31 =	sshll.u32 s1, $0xD;
	s1 =	sshrl.u32 s1, $0x2  }
0xc2: {  	s3 =	sand.u32 $0x4000, s31;
	s1 =	sadd.s32 s1, s30  }
0xc3: {  	s0 =	sor.u32 s3, s0;
	s1 =	sshll.u32 s1, $0x11  }
0xc4: {  	s0 =	sor.u32 s1, s0  }
0xc5: {  	s0 =	sadd.s32 $0x8F2B, s0  }
0xc6: {  	[sflag:s0] =	ssyncadd.remote.s32 $0x1  }
0xc7: {  	_ =	sfence.sel $0xFFFF  }
0xc8: {  	[dreg:$0x0] =	wrdreg $0xFFFFFFFF;
	(pc) =	sbr.abs _section_cstart, $3  }
0xc9: {  	[dreg:$0x1] =	wrdreg $0xFFFFFFFF  }
0xca: {  	_ =	task.clear_ibuf [dreg:s9], $0x2FFFF;
	_ =	strace $0x9FFFFFFF  }
0xcb: {  	(tm) =	ssettm $0x7FFFFFFF  }
tec
execute0_lowered:
.L_overlay_start_1:
0x0: {  	(tag) =	ssettag $0x1  }
0x1: {  	s4 =	rddreg [dreg:$0x0]  }
0x2: {  	s10 =	rddreg [dreg:$0x1];
	s1 =	srdreg.scid  }
0x3: {  	s2 =	rddreg [dreg:$0x2];
	s0 =	stileid.u32;
	s11 =	sand.u32 $0x1, s1  }
0x4: {  	s12 =	rddreg [dreg:$0x3];
	s5 =	sshll.u32 s0, $0x6;
	s6 =	sshll.u32 s11, $0x5  }
0x5: {  	s3 =	simm.s32 $0x0;
	s1 =	rddreg [dreg:$0x4];
	s13 =	sor.u32 s6, s5  }
0x6: {  	[smem:$0x7FF] =	sst s3;
	s14 =	sshrl.u32 s13, $0x3  }
0x7: {  	_ =	strace $0x80000047;
	s5 =	sadd.s32 s4, s14;
	s4 =	simm.s32 $0x3  }
0x8: {  	[tilespmem:s3], [sflag:$0x3] =	stream.linear.gather [hbm4b:s5+s3], $0x20, $0x38;
	[tilespmem:$0x240] =	vst v63  }
0x9: {  	_ =	swait.ge [sflag:s4], $0x20  }
0xa: {  	[sflag:s4] =	ssyncset.done $0x0  }
0xb: {  	s7 =	simm.s32 $0x20;
	s6 =	sadd.s32 $0xF43600, s10;
	[sflag:s4] =	ssyncadd.s32 $0xFFFFFFE0  }
0xc: {  	[tilespmem:s7], [sflag:$0x1] =	stream.indirect.gather [hbm4b:s6+s7], $0x10, s3, s7, $0xb8;
	[tilespmem:$0x240] =	vst v63  }
0xd: {  	s8 =	simm.s32 $0x220;
	s9 =	simm.s32 $0x1  }
0xe: {  	[tilespmem:s8], [sflag:$0x2] =	stream.indirect.gather [hbm4b:s2+s7], $0x1, s3, s7, $0xb8;
	[tilespmem:$0x240] =	vst v63  }
0xf: {  	s13 =	sshll.u32 s13, $0x1;
	_ =	swait.ge [sflag:s9], $0x200  }
0x10: {  	s10 =	sadd.s32 s13, s10;
	[sflag:s9] =	ssyncset.done $0x0  }
0x11: {  	s31 =	ssub.s32 $0x2, s11;
	s10 =	sadd.s32 $0x1200, s10;
	[sflag:s9] =	ssyncadd.s32 $0xFFFFFE00  }
0x12: {  	[hbm4b:s10+s3] =	stream.linear.scatter [tilespmem:s7], [sflag:$0x3], $0x200, $0x38;
	[tilespmem:$0x240] =	vst v63  }
0x13: {  	s15 =	sshrl.u32 s31, $0x1;
	_ =	swait.ge [sflag:s4], $0x200  }
0x14: {  	s13 =	ssub.s32 s31, s15;
	[sflag:s4] =	ssyncset.done $0x0  }
0x15: {  	s11 =	simm.s32 $0x2;
	s13 =	smax.u32 s13, $0x1;
	[sflag:s4] =	ssyncadd.s32 $0xFFFFFE00  }
0x16: {  	p0 =	sne.s32 s13, $0x1;
	_ =	swait.ge [sflag:s11], $0x20  }
.Ltmp0:
0x17: {  	[sflag:s11] =	ssyncset.done $0x0;
	(pc) =	sbr.rel @!p0 .LBB2_2-.Ltmp0, $4  }
0x18: {  	s12 =	sadd.s32 s12, s14;
	[sflag:s11] =	ssyncadd.s32 $0xFFFFFFE0  }
0x19: {  	[hbm4b:s12+s3] =	stream.linear.scatter [tilespmem:s8], [sflag:$0x3], $0x20, $0x38;
	[tilespmem:$0x240] =	vst v63  }
0x1a: {  	_ =	swait.ge [sflag:s4], $0x20  }
0x1b: {  	s13 =	sadd.s32 $0xFFFFFFFF, s13;
	[sflag:s4] =	ssyncset.done $0x0  }
.LBB2_1:
0x1c: {  	p0 =	sne.s32 s13, $0x1;
	s13 =	sadd.s32 $0xFFFFFFFF, s13;
	[sflag:s4] =	ssyncadd.s32 $0xFFFFFFE0  }
0x1d: {  	[tilespmem:s3], [sflag:$0x3] =	stream.linear.gather [hbm4b:s5+s3], $0x20, $0x38;
	[tilespmem:$0x240] =	vst v63  }
0x1e: {  	_ =	swait.ge [sflag:s4], $0x20  }
0x1f: {  	[sflag:s4] =	ssyncset.done $0x0  }
0x20: {  	[sflag:s4] =	ssyncadd.s32 $0xFFFFFFE0  }
0x21: {  	[tilespmem:s7], [sflag:$0x1] =	stream.indirect.gather [hbm4b:s6+s7], $0x10, s3, s7, $0xb8;
	[tilespmem:$0x240] =	vst v63  }
0x22: {  	_ = 	snop  }
0x23: {  	[tilespmem:s8], [sflag:$0x2] =	stream.indirect.gather [hbm4b:s2+s7], $0x1, s3, s7, $0xb8;
	[tilespmem:$0x240] =	vst v63  }
0x24: {  	_ =	swait.ge [sflag:s9], $0x200  }
0x25: {  	[sflag:s9] =	ssyncset.done $0x0  }
0x26: {  	[sflag:s9] =	ssyncadd.s32 $0xFFFFFE00  }
0x27: {  	[hbm4b:s10+s3] =	stream.linear.scatter [tilespmem:s7], [sflag:$0x3], $0x200, $0x38;
	[tilespmem:$0x240] =	vst v63  }
0x28: {  	_ =	swait.ge [sflag:s4], $0x200  }
0x29: {  	[sflag:s4] =	ssyncset.done $0x0  }
0x2a: {  	[sflag:s4] =	ssyncadd.s32 $0xFFFFFE00  }
0x2b: {  	_ =	swait.ge [sflag:s11], $0x20  }
.Ltmp1:
0x2c: {  	[sflag:s11] =	ssyncset.done $0x0;
	(pc) =	sbr.rel @p0 .LBB2_1-.Ltmp1, $4  }
0x2d: {  	[sflag:s11] =	ssyncadd.s32 $0xFFFFFFE0  }
0x2e: {  	[hbm4b:s12+s3] =	stream.linear.scatter [tilespmem:s8], [sflag:$0x3], $0x20, $0x38;
	[tilespmem:$0x240] =	vst v63  }
0x2f: {  	_ =	swait.ge [sflag:s4], $0x20  }
0x30: {  	[sflag:s4] =	ssyncset.done $0x0  }
.LBB2_2:
0x31: {  	[sflag:s4] =	ssyncadd.s32 $0xFFFFFFE0  }
0x32: {  	_ =	sfence.sel $0x180000  }
0x33: {  	[bflag:$0x0] =	sbarrier.arrive $0xFFFF  }
0x34: {  	p0 =	sne.s32 s0, $0x0;
	_ =	strace $0x90000047  }
0x35: {  	s0 =	sadd.s32 @!p0 $0x100000, s1;
	[bflag:$0x2] =	sbarrier.arrive $0xFFFF  }
0x36: {  	[sflag:s0] =	ssyncadd.tile.s32 @!p0 $0x1;
	_ =	shalt  }
.Lfunc_end2:
_tile_overlayer_lowered:
.L_overlay_start_2:
0x37: {  	(tag) =	ssettag $0x2  }
0x38: {  	s0 =	rddreg [dreg:$0x0];
	s2 =	stileid.u32  }
0x39: {  	s1 =	rddreg [dreg:$0x1];
	p0 =	sne.s32 s2, $0x0  }
0x3a: {  	s3 =	rddreg [dreg:$0x2];
	[bflag:$0x3] =	sbarrier.arrive $0xFFFF;
	s2 =	simm.s32 @!p0 $0x1C03  }
0x3b: {  	[timem:s3], [sflag:s2] =	dma.local @!p0 [hbm:s0], s1  }
0x3c: {  	s0 =	simm.s32 @!p0 $0x3  }
0x3d: {  	_ =	swait.ge @!p0 [sflag:s0], s1  }
0x3e: {  	s1 =	ssub.s32 @!p0 $0x0, s1;
	[sflag:s0] =	ssyncset.done @!p0 $0x0  }
0x3f: {  	[sflag:s0] =	ssyncadd.s32 @!p0 s1  }
0x40: {  	[bflag:$0x3] =	sbarrier.arrive $0xFFFF  }
0x41: {  	_ =	shalt  }

</sc_bundles>
